<compile_context>
chip_gen: v7x
topology: tpu7x:2x2x1
jax: 0.10.2.dev20260603
libtpu: 0.0.44.dev20260713+nightly
codegen_flags: <defaults>
</compile_context>

<pallas_src>
import functools

import jax
import jax.numpy as jnp
from jax import lax
from jax.experimental import pallas as pl
from jax.experimental.pallas import tpu as pltpu
from jax.experimental.pallas import tpu_sc as plsc

_VOCAB = 100000
_EMBED = 300
_EMBED_PAD = 384
_LENGTH = 200
_BATCH = 4096
_TOTAL = _LENGTH * _BATCH

_NC = 2
_NS = 16
_NW = _NC * _NS
_PER_W = _TOTAL // _NW
_CHUNK = 128
_NCHUNK = _PER_W // _CHUNK
_IDXROWS = 40

_STRIP = _EMBED - 256
_SCOLS = (0, 16, _STRIP - 16)

_ADD_ROWS = 1000


def _add_body(v_ref, p_ref, o_ref):
    o_ref[:, : _EMBED] = v_ref[...] + p_ref[...]
    o_ref[:, _EMBED :] = jnp.zeros(
        (_ADD_ROWS, _EMBED_PAD - _EMBED), jnp.float32
    )


def _combine_tables(vector_table, position_table):
    in_spec = pl.BlockSpec((_ADD_ROWS, _EMBED), lambda i: (i, 0))
    out_spec = pl.BlockSpec((_ADD_ROWS, _EMBED_PAD), lambda i: (i, 0))
    return pl.pallas_call(
        _add_body,
        grid=(_VOCAB // _ADD_ROWS,),
        in_specs=[in_spec, in_spec],
        out_specs=out_spec,
        out_shape=jax.ShapeDtypeStruct((_VOCAB, _EMBED_PAD), jnp.float32),
    )(vector_table, position_table)


def _gather_body(tbl_hbm, idx_hbm, out_hbm, idx_v, buf_v, strip_v, gsem, wsem, ssem):
    wid = lax.axis_index("s") * _NC + lax.axis_index("c")
    base = wid * _PER_W

    def stage(p):
        pltpu.sync_copy(idx_hbm.at[wid, pl.ds(p * _IDXROWS, _IDXROWS)], idx_v)

    def start_gather(j, slot):
        jl = lax.rem(j, _IDXROWS)
        pltpu.async_copy(tbl_hbm.at[idx_v.at[jl]], buf_v.at[slot], gsem)

    def rows_ref(j):
        return out_hbm.at[pl.ds(base + j * _CHUNK, _CHUNK)]

    def wait_gather(j, slot):
        jl = lax.rem(j, _IDXROWS)
        pltpu.make_async_copy(tbl_hbm.at[idx_v.at[jl]], buf_v.at[slot], gsem).wait()

    def start_write(j, slot):
        pltpu.async_copy(
            buf_v.at[slot].at[:, pl.ds(0, 256)],
            rows_ref(j).at[:, pl.ds(0, 256)],
            wsem,
        )

    def wait_write(j, slot):
        pltpu.make_async_copy(
            buf_v.at[slot].at[:, pl.ds(0, 256)],
            rows_ref(j).at[:, pl.ds(0, 256)],
            wsem,
        ).wait()

    def start_strip(j):
        pltpu.async_copy(strip_v, rows_ref(j).at[:, pl.ds(256, _STRIP)], ssem)

    def wait_strip(j):
        pltpu.make_async_copy(
            strip_v, rows_ref(j).at[:, pl.ds(256, _STRIP)], ssem
        ).wait()

    def unpack_strip(slot):
        def row(r, carry):
            for col in _SCOLS:
                strip_v[r, pl.ds(col, 16)] = buf_v[slot, r, pl.ds(256 + col, 16)]
            return carry

        lax.fori_loop(0, _CHUNK, row, 0)

    stage(0)
    start_gather(0, 0)

    def body(j, carry):
        slot = lax.rem(j, 2)
        nj = j + 1
        boundary = lax.rem(nj, _IDXROWS) == 0

        @pl.when(jnp.logical_and(nj < _NCHUNK, jnp.logical_not(boundary)))
        def _():
            @pl.when(j >= 1)
            def _():
                wait_write(j - 1, 1 - slot)

            start_gather(nj, 1 - slot)

        wait_gather(j, slot)

        @pl.when(jnp.logical_and(nj < _NCHUNK, boundary))
        def _():
            stage(nj // _IDXROWS)
            wait_write(j - 1, 1 - slot)
            start_gather(nj, 1 - slot)

        @pl.when(j >= 1)
        def _():
            wait_strip(j - 1)

        start_write(j, slot)
        unpack_strip(slot)
        start_strip(j)
        return carry

    lax.fori_loop(0, _NCHUNK, body, 0)

    last = _NCHUNK - 1
    wait_write(last - 1, lax.rem(last - 1, 2))
    wait_write(last, lax.rem(last, 2))
    wait_strip(last)


def _make_gather():
    return functools.partial(
        pl.kernel,
        out_type=jax.ShapeDtypeStruct((_TOTAL, _EMBED), jnp.float32),
        mesh=plsc.VectorSubcoreMesh(core_axis_name="c", subcore_axis_name="s"),
        scratch_types=[
            pltpu.VMEM((_IDXROWS, _CHUNK), jnp.int32),
            pltpu.VMEM((2, _CHUNK, _EMBED_PAD), jnp.float32),
            pltpu.VMEM((_CHUNK, _STRIP), jnp.float32),
            pltpu.SemaphoreType.DMA,
            pltpu.SemaphoreType.DMA,
            pltpu.SemaphoreType.DMA,
        ],
    )(_gather_body)


def kernel(x, vector_table, position_table):
    sum_table = _combine_tables(vector_table, position_table)
    xf = x.reshape(-1).astype(jnp.int32).reshape(_NW, _NCHUNK, _CHUNK)
    out = _make_gather()(sum_table, xf)
    return out.reshape(_LENGTH, _BATCH, _EMBED)

# --- scband reference (transcript-rebuilt; emitter-appended) ---
"""Pipeline reference for scband-text-34479997452886 (READ-ONLY COPY).

The authoritative reference and input builder live on the scoring server;
editing this copy changes nothing except your own understanding.
"""

import jax, jax.numpy as jnp
import numpy as np

VOCAB = 100000
EMBED = 300
LENGTH = 200
BATCH = 4096


def setup_inputs(seed: int = 0) -> dict:
    key = jax.random.key(seed)
    k1, k2, k3 = jax.random.split(key, 3)
    x = jax.random.randint(k1, (LENGTH, BATCH), 0, VOCAB, dtype=jnp.int64 if jax.config.jax_enable_x64 else jnp.int32)
    vector_table = jax.random.normal(k2, (VOCAB, EMBED), dtype=jnp.float32)
    position_table = jax.random.normal(k3, (VOCAB, EMBED), dtype=jnp.float32)
    return {"x": x, "vector_table": vector_table, "position_table": position_table}


def reference(x, vector_table, position_table):
    # Faithful to the torch module's forward: BOTH embeddings are indexed by the
    # token ids x (the position() helper is never called in forward).
    v_vector = jnp.take(vector_table, x, axis=0)      # (length, batch, 300)
    v_position = jnp.take(position_table, x, axis=0)  # (length, batch, 300)
    y = v_vector + v_position
    return y

if __name__ == "__main__":
    import jax
    _d = setup_inputs()
    print(jax.jit(kernel)(*tuple(_d.values())))

</pallas_src>

<mosaic_0001>
#map = affine_map<(d0, d1) -> (0, 0)>
#map1 = affine_map<(d0, d1) -> (0, 0, 0)>
module attributes {stable_mosaic.version = 14 : i64} {
  func.func @_gather_body(%arg0: i32, %arg1: i32, %arg2: memref<100000x384xf32, #tpu.memory_space<hbm>>, %arg3: memref<32x200x128xi32, #tpu.memory_space<hbm>>, %arg4: memref<819200x300xf32, #tpu.memory_space<hbm>>, %arg5: memref<40x128xi32, #tpu.memory_space<vmem>>, %arg6: memref<2x128x384xf32, #tpu.memory_space<vmem>>, %arg7: memref<128x44xf32, #tpu.memory_space<vmem>>, %arg8: memref<!tpu.dma_semaphore, #tpu.memory_space<semaphore_mem>>, %arg9: memref<!tpu.dma_semaphore, #tpu.memory_space<semaphore_mem>>, %arg10: memref<!tpu.dma_semaphore, #tpu.memory_space<semaphore_mem>>) attributes {dimension_semantics = [#tpu.dimension_semantics<core_parallel>, #tpu.dimension_semantics<subcore_parallel>], iteration_bounds = array<i64: 2, 16>, scalar_prefetch = 0 : i64, scratch_operands = 6 : i64, tpu.core_type = #tpu.core_type<sc_vector_subcore>, window_params = [{transform_indices = #map}, {transform_indices = #map1}, {transform_indices = #map}]} {
    %mul3A = arith.constant 2 : i32
    %mul3A_0 = arith.muli %arg1, %mul3A : i32
    %add3A = arith.addi %mul3A_0, %arg0 : i32
    %mul3A_1 = arith.constant 25600 : i32
    %mul3A_2 = arith.muli %add3A, %mul3A_1 : i32
    "tpu.region"() ({
      %run_scoped3A = tpu.sem_alloc : memref<!tpu.dma_semaphore, #tpu.memory_space<semaphore_mem>>
      %dma_start3A_89 = arith.constant 0 : i32
      %dma_start3A_90 = arith.constant 0 : i32
      %dma_start3A_91 = tpu.memref_slice %arg3[%add3A, %dma_start3A_89, %dma_start3A_90] : memref<32x200x128xi32, #tpu.memory_space<hbm>> -> memref<1x40x128xi32, #tpu.memory_space<hbm>>
      %dma_start3A_92 = tpu.memref_squeeze %dma_start3A_91 : memref<1x40x128xi32, #tpu.memory_space<hbm>> -> memref<40x128xi32, #tpu.memory_space<hbm>>
      %dma_start3A_93 = arith.constant 0 : i32
      %dma_start3A_94 = arith.constant 0 : i32
      %dma_start3A_95 = tpu.memref_slice %arg3[%add3A, %dma_start3A_93, %dma_start3A_94] : memref<32x200x128xi32, #tpu.memory_space<hbm>> -> memref<1x40x128xi32, #tpu.memory_space<hbm>>
      %dma_start3A_96 = tpu.memref_squeeze %dma_start3A_95 : memref<1x40x128xi32, #tpu.memory_space<hbm>> -> memref<40x128xi32, #tpu.memory_space<hbm>>
      tpu.enqueue_dma source(%dma_start3A_96 : memref<40x128xi32, #tpu.memory_space<hbm>>) target(%arg5 : memref<40x128xi32, #tpu.memory_space<vmem>>) target_semaphore(%run_scoped3A : memref<!tpu.dma_semaphore, #tpu.memory_space<semaphore_mem>>)
      %dma_wait3A_97 = arith.constant 0 : i32
      %dma_wait3A_98 = arith.constant 0 : i32
      %dma_wait3A_99 = tpu.memref_slice %arg3[%add3A, %dma_wait3A_97, %dma_wait3A_98] : memref<32x200x128xi32, #tpu.memory_space<hbm>> -> memref<1x40x128xi32, #tpu.memory_space<hbm>>
      %dma_wait3A_100 = tpu.memref_squeeze %dma_wait3A_99 : memref<1x40x128xi32, #tpu.memory_space<hbm>> -> memref<40x128xi32, #tpu.memory_space<hbm>>
      %dma_wait3A_101 = arith.constant 0 : i32
      %dma_wait3A_102 = arith.constant 0 : i32
      %dma_wait3A_103 = tpu.memref_slice %arg3[%add3A, %dma_wait3A_101, %dma_wait3A_102] : memref<32x200x128xi32, #tpu.memory_space<hbm>> -> memref<1x40x128xi32, #tpu.memory_space<hbm>>
      %dma_wait3A_104 = tpu.memref_squeeze %dma_wait3A_103 : memref<1x40x128xi32, #tpu.memory_space<hbm>> -> memref<40x128xi32, #tpu.memory_space<hbm>>
      tpu.wait_dma2 semaphore(%run_scoped3A : memref<!tpu.dma_semaphore, #tpu.memory_space<semaphore_mem>>) src(%dma_wait3A_104 : memref<40x128xi32, #tpu.memory_space<hbm>>) dst(%arg5 : memref<40x128xi32, #tpu.memory_space<vmem>>)
      tpu.yield
    }) : () -> ()
    %rem3A = arith.constant 0 : i32
    %rem3A_3 = arith.constant 40 : i32
    %rem3A_4 = arith.remsi %rem3A, %rem3A_3 : i32
    %dma_start3A = arith.constant 0 : i32
    %dma_start3A_5 = arith.constant 0 : i32
    %dma_start3A_6 = arith.constant 0 : i32
    %dma_start3A_7 = tpu.memref_slice %arg6[%dma_start3A, %dma_start3A_5, %dma_start3A_6] : memref<2x128x384xf32, #tpu.memory_space<vmem>> -> memref<1x128x384xf32, #tpu.memory_space<vmem>>
    %dma_start3A_8 = tpu.memref_squeeze %dma_start3A_7 : memref<1x128x384xf32, #tpu.memory_space<vmem>> -> memref<128x384xf32, #tpu.memory_space<vmem>>
    %dma_start3A_9 = arith.constant 0 : i32
    %dma_start3A_10 = tpu.memref_slice %arg5[%rem3A_4, %dma_start3A_9] : memref<40x128xi32, #tpu.memory_space<vmem>> -> memref<1x128xi32, #tpu.memory_space<vmem>>
    %dma_start3A_11 = tpu.memref_squeeze %dma_start3A_10 : memref<1x128xi32, #tpu.memory_space<vmem>> -> memref<128xi32, #tpu.memory_space<vmem>>
    %dma_start3A_12 = arith.constant 0 : i32
    %dma_start3A_13 = arith.constant 0 : i32
    %dma_start3A_14 = tpu.memref_slice %arg2[%dma_start3A_12, %dma_start3A_13] : memref<100000x384xf32, #tpu.memory_space<hbm>> -> memref<100000x384xf32, #tpu.memory_space<hbm>>
    tpu.enqueue_indirect_dma source(%dma_start3A_14 : memref<100000x384xf32, #tpu.memory_space<hbm>>) target(%dma_start3A_8 : memref<128x384xf32, #tpu.memory_space<vmem>>) offsets(%dma_start3A_11 : memref<128xi32, #tpu.memory_space<vmem>>) semaphore(%arg8 : memref<!tpu.dma_semaphore, #tpu.memory_space<semaphore_mem>>)
    %scan3A = arith.constant 0 : i32
    %scan3A_15 = arith.constant 0 : i32
    %scan3A_16 = arith.constant 200 : i32
    %scan3A_17 = arith.addi %scan3A_15, %scan3A_16 : i32
    %scan3A_18 = arith.constant 1 : i32
    scf.for %scan3A_89 = %scan3A_15 to %scan3A_17 step %scan3A_18  : i32 {
      %rem3A_90 = arith.constant 2 : i32
      %rem3A_91 = arith.remsi %scan3A_89, %rem3A_90 : i32
      %add3A_92 = arith.constant 1 : i32
      %add3A_93 = arith.addi %scan3A_89, %add3A_92 : i32
      %rem3A_94 = arith.constant 40 : i32
      %rem3A_95 = arith.remsi %add3A_93, %rem3A_94 : i32
      %eq3A = arith.constant 0 : i32
      %eq3A_96 = arith.cmpi eq, %rem3A_95, %eq3A : i32
      %lt3A = arith.constant 200 : i32
      %lt3A_97 = arith.cmpi slt, %add3A_93, %lt3A : i32
      %not3A = arith.constant true
      %not3A_98 = arith.xori %eq3A_96, %not3A : i1
      %and3A = arith.andi %lt3A_97, %not3A_98 : i1
      %convert_element_type3A = arith.extui %and3A : i1 to i32
      %cond3A = arith.constant 0 : i32
      %cond3A_99 = arith.cmpi ne, %convert_element_type3A, %cond3A : i32
      scf.if %cond3A_99 {
        %ge3A_168 = arith.constant 1 : i32
        %ge3A_169 = arith.cmpi sge, %scan3A_89, %ge3A_168 : i32
        %convert_element_type3A_170 = arith.extui %ge3A_169 : i1 to i32
        %cond3A_171 = arith.constant 0 : i32
        %cond3A_172 = arith.cmpi ne, %convert_element_type3A_170, %cond3A_171 : i32
        scf.if %cond3A_172 {
          %sub3A_186 = arith.constant 1 : i32
          %sub3A_187 = arith.subi %scan3A_89, %sub3A_186 : i32
          %sub3A_188 = arith.constant 1 : i32
          %sub3A_189 = arith.subi %sub3A_188, %rem3A_91 : i32
          %mul3A_190 = arith.constant 128 : i32
          %mul3A_191 = arith.muli %sub3A_187, %mul3A_190 : i32
          %add3A_192 = arith.addi %mul3A_2, %mul3A_191 : i32
          %dma_wait3A_193 = arith.constant 0 : i32
          %dma_wait3A_194 = arith.constant 0 : i32
          %dma_wait3A_195 = tpu.memref_slice %arg6[%sub3A_189, %dma_wait3A_193, %dma_wait3A_194] : memref<2x128x384xf32, #tpu.memory_space<vmem>> -> memref<1x128x384xf32, #tpu.memory_space<vmem>>
          %dma_wait3A_196 = tpu.memref_squeeze %dma_wait3A_195 : memref<1x128x384xf32, #tpu.memory_space<vmem>> -> memref<128x384xf32, #tpu.memory_space<vmem>>
          %dma_wait3A_197 = arith.constant 0 : i32
          %dma_wait3A_198 = arith.constant 0 : i32
          %dma_wait3A_199 = tpu.memref_slice %dma_wait3A_196[%dma_wait3A_197, %dma_wait3A_198] : memref<128x384xf32, #tpu.memory_space<vmem>> -> memref<128x256xf32, #tpu.memory_space<vmem>>
          %dma_wait3A_200 = arith.constant 0 : i32
          %dma_wait3A_201 = tpu.memref_slice %arg4[%add3A_192, %dma_wait3A_200] : memref<819200x300xf32, #tpu.memory_space<hbm>> -> memref<128x300xf32, #tpu.memory_space<hbm>>
          %dma_wait3A_202 = arith.constant 0 : i32
          %dma_wait3A_203 = arith.constant 0 : i32
          %dma_wait3A_204 = tpu.memref_slice %dma_wait3A_201[%dma_wait3A_202, %dma_wait3A_203] : memref<128x300xf32, #tpu.memory_space<hbm>> -> memref<128x256xf32, #tpu.memory_space<hbm>>
          %dma_wait3A_205 = arith.constant 0 : i32
          %dma_wait3A_206 = tpu.memref_slice %arg4[%add3A_192, %dma_wait3A_205] : memref<819200x300xf32, #tpu.memory_space<hbm>> -> memref<128x300xf32, #tpu.memory_space<hbm>>
          %dma_wait3A_207 = arith.constant 0 : i32
          %dma_wait3A_208 = arith.constant 0 : i32
          %dma_wait3A_209 = tpu.memref_slice %dma_wait3A_206[%dma_wait3A_207, %dma_wait3A_208] : memref<128x300xf32, #tpu.memory_space<hbm>> -> memref<128x256xf32, #tpu.memory_space<hbm>>
          %dma_wait3A_210 = arith.constant 0 : i32
          %dma_wait3A_211 = arith.constant 0 : i32
          %dma_wait3A_212 = tpu.memref_slice %arg6[%sub3A_189, %dma_wait3A_210, %dma_wait3A_211] : memref<2x128x384xf32, #tpu.memory_space<vmem>> -> memref<1x128x384xf32, #tpu.memory_space<vmem>>
          %dma_wait3A_213 = tpu.memref_squeeze %dma_wait3A_212 : memref<1x128x384xf32, #tpu.memory_space<vmem>> -> memref<128x384xf32, #tpu.memory_space<vmem>>
          %dma_wait3A_214 = arith.constant 0 : i32
          %dma_wait3A_215 = arith.constant 0 : i32
          %dma_wait3A_216 = tpu.memref_slice %dma_wait3A_213[%dma_wait3A_214, %dma_wait3A_215] : memref<128x384xf32, #tpu.memory_space<vmem>> -> memref<128x256xf32, #tpu.memory_space<vmem>>
          tpu.wait_dma2 semaphore(%arg9 : memref<!tpu.dma_semaphore, #tpu.memory_space<semaphore_mem>>) src(%dma_wait3A_216 : memref<128x256xf32, #tpu.memory_space<vmem>>) dst(%dma_wait3A_209 : memref<128x256xf32, #tpu.memory_space<hbm>>)
        } else {
        }
        %sub3A = arith.constant 1 : i32
        %sub3A_173 = arith.subi %sub3A, %rem3A_91 : i32
        %rem3A_174 = arith.constant 40 : i32
        %rem3A_175 = arith.remsi %add3A_93, %rem3A_174 : i32
        %dma_start3A_176 = arith.constant 0 : i32
        %dma_start3A_177 = arith.constant 0 : i32
        %dma_start3A_178 = tpu.memref_slice %arg6[%sub3A_173, %dma_start3A_176, %dma_start3A_177] : memref<2x128x384xf32, #tpu.memory_space<vmem>> -> memref<1x128x384xf32, #tpu.memory_space<vmem>>
        %dma_start3A_179 = tpu.memref_squeeze %dma_start3A_178 : memref<1x128x384xf32, #tpu.memory_space<vmem>> -> memref<128x384xf32, #tpu.memory_space<vmem>>
        %dma_start3A_180 = arith.constant 0 : i32
        %dma_start3A_181 = tpu.memref_slice %arg5[%rem3A_175, %dma_start3A_180] : memref<40x128xi32, #tpu.memory_space<vmem>> -> memref<1x128xi32, #tpu.memory_space<vmem>>
        %dma_start3A_182 = tpu.memref_squeeze %dma_start3A_181 : memref<1x128xi32, #tpu.memory_space<vmem>> -> memref<128xi32, #tpu.memory_space<vmem>>
        %dma_start3A_183 = arith.constant 0 : i32
        %dma_start3A_184 = arith.constant 0 : i32
        %dma_start3A_185 = tpu.memref_slice %arg2[%dma_start3A_183, %dma_start3A_184] : memref<100000x384xf32, #tpu.memory_space<hbm>> -> memref<100000x384xf32, #tpu.memory_space<hbm>>
        tpu.enqueue_indirect_dma source(%dma_start3A_185 : memref<100000x384xf32, #tpu.memory_space<hbm>>) target(%dma_start3A_179 : memref<128x384xf32, #tpu.memory_space<vmem>>) offsets(%dma_start3A_182 : memref<128xi32, #tpu.memory_space<vmem>>) semaphore(%arg8 : memref<!tpu.dma_semaphore, #tpu.memory_space<semaphore_mem>>)
      } else {
      }
      %rem3A_100 = arith.constant 40 : i32
      %rem3A_101 = arith.remsi %scan3A_89, %rem3A_100 : i32
      %dma_wait3A_102 = arith.constant 0 : i32
      %dma_wait3A_103 = arith.constant 0 : i32
      %dma_wait3A_104 = tpu.memref_slice %arg6[%rem3A_91, %dma_wait3A_102, %dma_wait3A_103] : memref<2x128x384xf32, #tpu.memory_space<vmem>> -> memref<1x128x384xf32, #tpu.memory_space<vmem>>
      %dma_wait3A_105 = tpu.memref_squeeze %dma_wait3A_104 : memref<1x128x384xf32, #tpu.memory_space<vmem>> -> memref<128x384xf32, #tpu.memory_space<vmem>>
      %dma_wait3A_106 = arith.constant 0 : i32
      %dma_wait3A_107 = tpu.memref_slice %arg5[%rem3A_101, %dma_wait3A_106] : memref<40x128xi32, #tpu.memory_space<vmem>> -> memref<1x128xi32, #tpu.memory_space<vmem>>
      %dma_wait3A_108 = tpu.memref_squeeze %dma_wait3A_107 : memref<1x128xi32, #tpu.memory_space<vmem>> -> memref<128xi32, #tpu.memory_space<vmem>>
      %dma_wait3A_109 = arith.constant 0 : i32
      %dma_wait3A_110 = arith.constant 0 : i32
      %dma_wait3A_111 = tpu.memref_slice %arg2[%dma_wait3A_109, %dma_wait3A_110] : memref<100000x384xf32, #tpu.memory_space<hbm>> -> memref<100000x384xf32, #tpu.memory_space<hbm>>
      tpu.wait_indirect_dma semaphore(%arg8 : memref<!tpu.dma_semaphore, #tpu.memory_space<semaphore_mem>>) src(%dma_wait3A_111 : memref<100000x384xf32, #tpu.memory_space<hbm>>) dst(%dma_wait3A_105 : memref<128x384xf32, #tpu.memory_space<vmem>>)
      %lt3A_112 = arith.constant 200 : i32
      %lt3A_113 = arith.cmpi slt, %add3A_93, %lt3A_112 : i32
      %and3A_114 = arith.andi %lt3A_113, %eq3A_96 : i1
      %convert_element_type3A_115 = arith.extui %and3A_114 : i1 to i32
      %cond3A_116 = arith.constant 0 : i32
      %cond3A_117 = arith.cmpi ne, %convert_element_type3A_115, %cond3A_116 : i32
      scf.if %cond3A_117 {
        %jit3A = arith.constant 40 : i32
        %div3A = arith.divsi %add3A_93, %jit3A : i32
        %sign3A = arith.constant 0 : i32
        %sign3A_168 = arith.cmpi sgt, %add3A_93, %sign3A : i32
        %sign3A_169 = arith.extui %sign3A_168 : i1 to i32
        %sign3A_170 = arith.constant 0 : i32
        %sign3A_171 = arith.cmpi slt, %add3A_93, %sign3A_170 : i32
        %sign3A_172 = arith.extui %sign3A_171 : i1 to i32
        %sign3A_173 = arith.subi %sign3A_169, %sign3A_172 : i32
        %sign3A_174 = arith.constant 0 : i32
        %sign3A_175 = arith.cmpi sgt, %jit3A, %sign3A_174 : i32
        %sign3A_176 = arith.extui %sign3A_175 : i1 to i32
        %sign3A_177 = arith.constant 0 : i32
        %sign3A_178 = arith.cmpi slt, %jit3A, %sign3A_177 : i32
        %sign3A_179 = arith.extui %sign3A_178 : i1 to i32
        %sign3A_180 = arith.subi %sign3A_176, %sign3A_179 : i32
        %ne3A = arith.cmpi ne, %sign3A_173, %sign3A_180 : i32
        %rem3A_181 = arith.remsi %add3A_93, %jit3A : i32
        %ne3A_182 = arith.constant 0 : i32
        %ne3A_183 = arith.cmpi ne, %rem3A_181, %ne3A_182 : i32
        %and3A_184 = arith.andi %ne3A, %ne3A_183 : i1
        %sub3A = arith.constant 1 : i32
        %sub3A_185 = arith.subi %div3A, %sub3A : i32
        %select_n3A = arith.select %and3A_184, %sub3A_185, %div3A : i32
        %mul3A_186 = arith.constant 40 : i32
        %mul3A_187 = arith.muli %select_n3A, %mul3A_186 : i32
        "tpu.region"() ({
          %run_scoped3A = tpu.sem_alloc : memref<!tpu.dma_semaphore, #tpu.memory_space<semaphore_mem>>
          %dma_start3A_233 = arith.constant 0 : i32
          %dma_start3A_234 = tpu.memref_slice %arg3[%add3A, %mul3A_187, %dma_start3A_233] : memref<32x200x128xi32, #tpu.memory_space<hbm>> -> memref<1x40x128xi32, #tpu.memory_space<hbm>>
          %dma_start3A_235 = tpu.memref_squeeze %dma_start3A_234 : memref<1x40x128xi32, #tpu.memory_space<hbm>> -> memref<40x128xi32, #tpu.memory_space<hbm>>
          %dma_start3A_236 = arith.constant 0 : i32
          %dma_start3A_237 = tpu.memref_slice %arg3[%add3A, %mul3A_187, %dma_start3A_236] : memref<32x200x128xi32, #tpu.memory_space<hbm>> -> memref<1x40x128xi32, #tpu.memory_space<hbm>>
          %dma_start3A_238 = tpu.memref_squeeze %dma_start3A_237 : memref<1x40x128xi32, #tpu.memory_space<hbm>> -> memref<40x128xi32, #tpu.memory_space<hbm>>
          tpu.enqueue_dma source(%dma_start3A_238 : memref<40x128xi32, #tpu.memory_space<hbm>>) target(%arg5 : memref<40x128xi32, #tpu.memory_space<vmem>>) target_semaphore(%run_scoped3A : memref<!tpu.dma_semaphore, #tpu.memory_space<semaphore_mem>>)
          %dma_wait3A_239 = arith.constant 0 : i32
          %dma_wait3A_240 = tpu.memref_slice %arg3[%add3A, %mul3A_187, %dma_wait3A_239] : memref<32x200x128xi32, #tpu.memory_space<hbm>> -> memref<1x40x128xi32, #tpu.memory_space<hbm>>
          %dma_wait3A_241 = tpu.memref_squeeze %dma_wait3A_240 : memref<1x40x128xi32, #tpu.memory_space<hbm>> -> memref<40x128xi32, #tpu.memory_space<hbm>>
          %dma_wait3A_242 = arith.constant 0 : i32
          %dma_wait3A_243 = tpu.memref_slice %arg3[%add3A, %mul3A_187, %dma_wait3A_242] : memref<32x200x128xi32, #tpu.memory_space<hbm>> -> memref<1x40x128xi32, #tpu.memory_space<hbm>>
          %dma_wait3A_244 = tpu.memref_squeeze %dma_wait3A_243 : memref<1x40x128xi32, #tpu.memory_space<hbm>> -> memref<40x128xi32, #tpu.memory_space<hbm>>
          tpu.wait_dma2 semaphore(%run_scoped3A : memref<!tpu.dma_semaphore, #tpu.memory_space<semaphore_mem>>) src(%dma_wait3A_244 : memref<40x128xi32, #tpu.memory_space<hbm>>) dst(%arg5 : memref<40x128xi32, #tpu.memory_space<vmem>>)
          tpu.yield
        }) : () -> ()
        %sub3A_188 = arith.constant 1 : i32
        %sub3A_189 = arith.subi %scan3A_89, %sub3A_188 : i32
        %sub3A_190 = arith.constant 1 : i32
        %sub3A_191 = arith.subi %sub3A_190, %rem3A_91 : i32
        %mul3A_192 = arith.constant 128 : i32
        %mul3A_193 = arith.muli %sub3A_189, %mul3A_192 : i32
        %add3A_194 = arith.addi %mul3A_2, %mul3A_193 : i32
        %dma_wait3A_195 = arith.constant 0 : i32
        %dma_wait3A_196 = arith.constant 0 : i32
        %dma_wait3A_197 = tpu.memref_slice %arg6[%sub3A_191, %dma_wait3A_195, %dma_wait3A_196] : memref<2x128x384xf32, #tpu.memory_space<vmem>> -> memref<1x128x384xf32, #tpu.memory_space<vmem>>
        %dma_wait3A_198 = tpu.memref_squeeze %dma_wait3A_197 : memref<1x128x384xf32, #tpu.memory_space<vmem>> -> memref<128x384xf32, #tpu.memory_space<vmem>>
        %dma_wait3A_199 = arith.constant 0 : i32
        %dma_wait3A_200 = arith.constant 0 : i32
        %dma_wait3A_201 = tpu.memref_slice %dma_wait3A_198[%dma_wait3A_199, %dma_wait3A_200] : memref<128x384xf32, #tpu.memory_space<vmem>> -> memref<128x256xf32, #tpu.memory_space<vmem>>
        %dma_wait3A_202 = arith.constant 0 : i32
        %dma_wait3A_203 = tpu.memref_slice %arg4[%add3A_194, %dma_wait3A_202] : memref<819200x300xf32, #tpu.memory_space<hbm>> -> memref<128x300xf32, #tpu.memory_space<hbm>>
        %dma_wait3A_204 = arith.constant 0 : i32
        %dma_wait3A_205 = arith.constant 0 : i32
        %dma_wait3A_206 = tpu.memref_slice %dma_wait3A_203[%dma_wait3A_204, %dma_wait3A_205] : memref<128x300xf32, #tpu.memory_space<hbm>> -> memref<128x256xf32, #tpu.memory_space<hbm>>
        %dma_wait3A_207 = arith.constant 0 : i32
        %dma_wait3A_208 = tpu.memref_slice %arg4[%add3A_194, %dma_wait3A_207] : memref<819200x300xf32, #tpu.memory_space<hbm>> -> memref<128x300xf32, #tpu.memory_space<hbm>>
        %dma_wait3A_209 = arith.constant 0 : i32
        %dma_wait3A_210 = arith.constant 0 : i32
        %dma_wait3A_211 = tpu.memref_slice %dma_wait3A_208[%dma_wait3A_209, %dma_wait3A_210] : memref<128x300xf32, #tpu.memory_space<hbm>> -> memref<128x256xf32, #tpu.memory_space<hbm>>
        %dma_wait3A_212 = arith.constant 0 : i32
        %dma_wait3A_213 = arith.constant 0 : i32
        %dma_wait3A_214 = tpu.memref_slice %arg6[%sub3A_191, %dma_wait3A_212, %dma_wait3A_213] : memref<2x128x384xf32, #tpu.memory_space<vmem>> -> memref<1x128x384xf32, #tpu.memory_space<vmem>>
        %dma_wait3A_215 = tpu.memref_squeeze %dma_wait3A_214 : memref<1x128x384xf32, #tpu.memory_space<vmem>> -> memref<128x384xf32, #tpu.memory_space<vmem>>
        %dma_wait3A_216 = arith.constant 0 : i32
        %dma_wait3A_217 = arith.constant 0 : i32
        %dma_wait3A_218 = tpu.memref_slice %dma_wait3A_215[%dma_wait3A_216, %dma_wait3A_217] : memref<128x384xf32, #tpu.memory_space<vmem>> -> memref<128x256xf32, #tpu.memory_space<vmem>>
        tpu.wait_dma2 semaphore(%arg9 : memref<!tpu.dma_semaphore, #tpu.memory_space<semaphore_mem>>) src(%dma_wait3A_218 : memref<128x256xf32, #tpu.memory_space<vmem>>) dst(%dma_wait3A_211 : memref<128x256xf32, #tpu.memory_space<hbm>>)
        %sub3A_219 = arith.constant 1 : i32
        %sub3A_220 = arith.subi %sub3A_219, %rem3A_91 : i32
        %rem3A_221 = arith.constant 40 : i32
        %rem3A_222 = arith.remsi %add3A_93, %rem3A_221 : i32
        %dma_start3A_223 = arith.constant 0 : i32
        %dma_start3A_224 = arith.constant 0 : i32
        %dma_start3A_225 = tpu.memref_slice %arg6[%sub3A_220, %dma_start3A_223, %dma_start3A_224] : memref<2x128x384xf32, #tpu.memory_space<vmem>> -> memref<1x128x384xf32, #tpu.memory_space<vmem>>
        %dma_start3A_226 = tpu.memref_squeeze %dma_start3A_225 : memref<1x128x384xf32, #tpu.memory_space<vmem>> -> memref<128x384xf32, #tpu.memory_space<vmem>>
        %dma_start3A_227 = arith.constant 0 : i32
        %dma_start3A_228 = tpu.memref_slice %arg5[%rem3A_222, %dma_start3A_227] : memref<40x128xi32, #tpu.memory_space<vmem>> -> memref<1x128xi32, #tpu.memory_space<vmem>>
        %dma_start3A_229 = tpu.memref_squeeze %dma_start3A_228 : memref<1x128xi32, #tpu.memory_space<vmem>> -> memref<128xi32, #tpu.memory_space<vmem>>
        %dma_start3A_230 = arith.constant 0 : i32
        %dma_start3A_231 = arith.constant 0 : i32
        %dma_start3A_232 = tpu.memref_slice %arg2[%dma_start3A_230, %dma_start3A_231] : memref<100000x384xf32, #tpu.memory_space<hbm>> -> memref<100000x384xf32, #tpu.memory_space<hbm>>
        tpu.enqueue_indirect_dma source(%dma_start3A_232 : memref<100000x384xf32, #tpu.memory_space<hbm>>) target(%dma_start3A_226 : memref<128x384xf32, #tpu.memory_space<vmem>>) offsets(%dma_start3A_229 : memref<128xi32, #tpu.memory_space<vmem>>) semaphore(%arg8 : memref<!tpu.dma_semaphore, #tpu.memory_space<semaphore_mem>>)
      } else {
      }
      %ge3A = arith.constant 1 : i32
      %ge3A_118 = arith.cmpi sge, %scan3A_89, %ge3A : i32
      %convert_element_type3A_119 = arith.extui %ge3A_118 : i1 to i32
      %cond3A_120 = arith.constant 0 : i32
      %cond3A_121 = arith.cmpi ne, %convert_element_type3A_119, %cond3A_120 : i32
      scf.if %cond3A_121 {
        %sub3A = arith.constant 1 : i32
        %sub3A_168 = arith.subi %scan3A_89, %sub3A : i32
        %mul3A_169 = arith.constant 128 : i32
        %mul3A_170 = arith.muli %sub3A_168, %mul3A_169 : i32
        %add3A_171 = arith.addi %mul3A_2, %mul3A_170 : i32
        %dma_wait3A_172 = arith.constant 0 : i32
        %dma_wait3A_173 = tpu.memref_slice %arg4[%add3A_171, %dma_wait3A_172] : memref<819200x300xf32, #tpu.memory_space<hbm>> -> memref<128x300xf32, #tpu.memory_space<hbm>>
        %dma_wait3A_174 = arith.constant 0 : i32
        %dma_wait3A_175 = arith.constant 256 : i32
        %dma_wait3A_176 = tpu.memref_slice %dma_wait3A_173[%dma_wait3A_174, %dma_wait3A_175] : memref<128x300xf32, #tpu.memory_space<hbm>> -> memref<128x44xf32, #tpu.memory_space<hbm>>
        %dma_wait3A_177 = arith.constant 0 : i32
        %dma_wait3A_178 = tpu.memref_slice %arg4[%add3A_171, %dma_wait3A_177] : memref<819200x300xf32, #tpu.memory_space<hbm>> -> memref<128x300xf32, #tpu.memory_space<hbm>>
        %dma_wait3A_179 = arith.constant 0 : i32
        %dma_wait3A_180 = arith.constant 256 : i32
        %dma_wait3A_181 = tpu.memref_slice %dma_wait3A_178[%dma_wait3A_179, %dma_wait3A_180] : memref<128x300xf32, #tpu.memory_space<hbm>> -> memref<128x44xf32, #tpu.memory_space<hbm>>
        tpu.wait_dma2 semaphore(%arg10 : memref<!tpu.dma_semaphore, #tpu.memory_space<semaphore_mem>>) src(%arg7 : memref<128x44xf32, #tpu.memory_space<vmem>>) dst(%dma_wait3A_181 : memref<128x44xf32, #tpu.memory_space<hbm>>)
      } else {
      }
      %mul3A_122 = arith.constant 128 : i32
      %mul3A_123 = arith.muli %scan3A_89, %mul3A_122 : i32
      %add3A_124 = arith.addi %mul3A_2, %mul3A_123 : i32
      %dma_start3A_125 = arith.constant 0 : i32
      %dma_start3A_126 = arith.constant 0 : i32
      %dma_start3A_127 = tpu.memref_slice %arg6[%rem3A_91, %dma_start3A_125, %dma_start3A_126] : memref<2x128x384xf32, #tpu.memory_space<vmem>> -> memref<1x128x384xf32, #tpu.memory_space<vmem>>
      %dma_start3A_128 = tpu.memref_squeeze %dma_start3A_127 : memref<1x128x384xf32, #tpu.memory_space<vmem>> -> memref<128x384xf32, #tpu.memory_space<vmem>>
      %dma_start3A_129 = arith.constant 0 : i32
      %dma_start3A_130 = arith.constant 0 : i32
      %dma_start3A_131 = tpu.memref_slice %dma_start3A_128[%dma_start3A_129, %dma_start3A_130] : memref<128x384xf32, #tpu.memory_space<vmem>> -> memref<128x256xf32, #tpu.memory_space<vmem>>
      %dma_start3A_132 = arith.constant 0 : i32
      %dma_start3A_133 = tpu.memref_slice %arg4[%add3A_124, %dma_start3A_132] : memref<819200x300xf32, #tpu.memory_space<hbm>> -> memref<128x300xf32, #tpu.memory_space<hbm>>
      %dma_start3A_134 = arith.constant 0 : i32
      %dma_start3A_135 = arith.constant 0 : i32
      %dma_start3A_136 = tpu.memref_slice %dma_start3A_133[%dma_start3A_134, %dma_start3A_135] : memref<128x300xf32, #tpu.memory_space<hbm>> -> memref<128x256xf32, #tpu.memory_space<hbm>>
      %dma_start3A_137 = arith.constant 0 : i32
      %dma_start3A_138 = tpu.memref_slice %arg4[%add3A_124, %dma_start3A_137] : memref<819200x300xf32, #tpu.memory_space<hbm>> -> memref<128x300xf32, #tpu.memory_space<hbm>>
      %dma_start3A_139 = arith.constant 0 : i32
      %dma_start3A_140 = arith.constant 0 : i32
      %dma_start3A_141 = tpu.memref_slice %dma_start3A_138[%dma_start3A_139, %dma_start3A_140] : memref<128x300xf32, #tpu.memory_space<hbm>> -> memref<128x256xf32, #tpu.memory_space<hbm>>
      %dma_start3A_142 = arith.constant 0 : i32
      %dma_start3A_143 = arith.constant 0 : i32
      %dma_start3A_144 = tpu.memref_slice %arg6[%rem3A_91, %dma_start3A_142, %dma_start3A_143] : memref<2x128x384xf32, #tpu.memory_space<vmem>> -> memref<1x128x384xf32, #tpu.memory_space<vmem>>
      %dma_start3A_145 = tpu.memref_squeeze %dma_start3A_144 : memref<1x128x384xf32, #tpu.memory_space<vmem>> -> memref<128x384xf32, #tpu.memory_space<vmem>>
      %dma_start3A_146 = arith.constant 0 : i32
      %dma_start3A_147 = arith.constant 0 : i32
      %dma_start3A_148 = tpu.memref_slice %dma_start3A_145[%dma_start3A_146, %dma_start3A_147] : memref<128x384xf32, #tpu.memory_space<vmem>> -> memref<128x256xf32, #tpu.memory_space<vmem>>
      tpu.enqueue_dma source(%dma_start3A_148 : memref<128x256xf32, #tpu.memory_space<vmem>>) target(%dma_start3A_141 : memref<128x256xf32, #tpu.memory_space<hbm>>) target_semaphore(%arg9 : memref<!tpu.dma_semaphore, #tpu.memory_space<semaphore_mem>>)
      %scan3A_149 = arith.constant 0 : i32
      %scan3A_150 = arith.constant 0 : i32
      %scan3A_151 = arith.constant 128 : i32
      %scan3A_152 = arith.addi %scan3A_150, %scan3A_151 : i32
      %scan3A_153 = arith.constant 1 : i32
      scf.for %scan3A_168 = %scan3A_150 to %scan3A_152 step %scan3A_153  : i32 {
        %get3A = arith.index_cast %rem3A_91 : i32 to index
        %get3A_169 = arith.index_cast %scan3A_168 : i32 to index
        %get3A_170 = arith.constant 256 : index
        %get3A_171 = tpu.vector_load %arg6[%get3A, %get3A_169, %get3A_170] {strides = array<i32>} : memref<2x128x384xf32, #tpu.memory_space<vmem>>, vector<1x1x16xf32>,
        %get3A_172 = vector.shape_cast %get3A_171 : vector<1x1x16xf32> to vector<16xf32>
        %swap3A = arith.index_cast %scan3A_168 : i32 to index
        %swap3A_173 = arith.constant 0 : index
        %swap3A_174 = tpu.vector_load %arg7[%swap3A, %swap3A_173] {strides = array<i32>} : memref<128x44xf32, #tpu.memory_space<vmem>>, vector<1x16xf32>,
        %swap3A_175 = vector.shape_cast %swap3A_174 : vector<1x16xf32> to vector<16xf32>
        %swap3A_176 = vector.shape_cast %get3A_172 : vector<16xf32> to vector<1x16xf32>
        tpu.vector_store %arg7[%swap3A, %swap3A_173], %swap3A_176 {strides = array<i32>} : memref<128x44xf32, #tpu.memory_space<vmem>>, vector<1x16xf32>,
        %get3A_177 = arith.index_cast %rem3A_91 : i32 to index
        %get3A_178 = arith.index_cast %scan3A_168 : i32 to index
        %get3A_179 = arith.constant 272 : index
        %get3A_180 = tpu.vector_load %arg6[%get3A_177, %get3A_178, %get3A_179] {strides = array<i32>} : memref<2x128x384xf32, #tpu.memory_space<vmem>>, vector<1x1x16xf32>,
        %get3A_181 = vector.shape_cast %get3A_180 : vector<1x1x16xf32> to vector<16xf32>
        %swap3A_182 = arith.index_cast %scan3A_168 : i32 to index
        %swap3A_183 = arith.constant 16 : index
        %swap3A_184 = tpu.vector_load %arg7[%swap3A_182, %swap3A_183] {strides = array<i32>} : memref<128x44xf32, #tpu.memory_space<vmem>>, vector<1x16xf32>,
        %swap3A_185 = vector.shape_cast %swap3A_184 : vector<1x16xf32> to vector<16xf32>
        %swap3A_186 = vector.shape_cast %get3A_181 : vector<16xf32> to vector<1x16xf32>
        tpu.vector_store %arg7[%swap3A_182, %swap3A_183], %swap3A_186 {strides = array<i32>} : memref<128x44xf32, #tpu.memory_space<vmem>>, vector<1x16xf32>,
        %get3A_187 = arith.index_cast %rem3A_91 : i32 to index
        %get3A_188 = arith.index_cast %scan3A_168 : i32 to index
        %get3A_189 = arith.constant 284 : index
        %get3A_190 = tpu.vector_load %arg6[%get3A_187, %get3A_188, %get3A_189] {strides = array<i32>} : memref<2x128x384xf32, #tpu.memory_space<vmem>>, vector<1x1x16xf32>,
        %get3A_191 = vector.shape_cast %get3A_190 : vector<1x1x16xf32> to vector<16xf32>
        %swap3A_192 = arith.index_cast %scan3A_168 : i32 to index
        %swap3A_193 = arith.constant 28 : index
        %swap3A_194 = tpu.vector_load %arg7[%swap3A_192, %swap3A_193] {strides = array<i32>} : memref<128x44xf32, #tpu.memory_space<vmem>>, vector<1x16xf32>,
        %swap3A_195 = vector.shape_cast %swap3A_194 : vector<1x16xf32> to vector<16xf32>
        %swap3A_196 = vector.shape_cast %get3A_191 : vector<16xf32> to vector<1x16xf32>
        tpu.vector_store %arg7[%swap3A_192, %swap3A_193], %swap3A_196 {strides = array<i32>} : memref<128x44xf32, #tpu.memory_space<vmem>>, vector<1x16xf32>,
      }
      %scan3A_154 = arith.constant 128 : i32
      %mul3A_155 = arith.constant 128 : i32
      %mul3A_156 = arith.muli %scan3A_89, %mul3A_155 : i32
      %add3A_157 = arith.addi %mul3A_2, %mul3A_156 : i32
      %dma_start3A_158 = arith.constant 0 : i32
      %dma_start3A_159 = tpu.memref_slice %arg4[%add3A_157, %dma_start3A_158] : memref<819200x300xf32, #tpu.memory_space<hbm>> -> memref<128x300xf32, #tpu.memory_space<hbm>>
      %dma_start3A_160 = arith.constant 0 : i32
      %dma_start3A_161 = arith.constant 256 : i32
      %dma_start3A_162 = tpu.memref_slice %dma_start3A_159[%dma_start3A_160, %dma_start3A_161] : memref<128x300xf32, #tpu.memory_space<hbm>> -> memref<128x44xf32, #tpu.memory_space<hbm>>
      %dma_start3A_163 = arith.constant 0 : i32
      %dma_start3A_164 = tpu.memref_slice %arg4[%add3A_157, %dma_start3A_163] : memref<819200x300xf32, #tpu.memory_space<hbm>> -> memref<128x300xf32, #tpu.memory_space<hbm>>
      %dma_start3A_165 = arith.constant 0 : i32
      %dma_start3A_166 = arith.constant 256 : i32
      %dma_start3A_167 = tpu.memref_slice %dma_start3A_164[%dma_start3A_165, %dma_start3A_166] : memref<128x300xf32, #tpu.memory_space<hbm>> -> memref<128x44xf32, #tpu.memory_space<hbm>>
      tpu.enqueue_dma source(%arg7 : memref<128x44xf32, #tpu.memory_space<vmem>>) target(%dma_start3A_167 : memref<128x44xf32, #tpu.memory_space<hbm>>) target_semaphore(%arg10 : memref<!tpu.dma_semaphore, #tpu.memory_space<semaphore_mem>>)
    }
    %scan3A_19 = arith.constant 200 : i32
    %rem3A_20 = arith.constant 198 : i32
    %rem3A_21 = arith.constant 2 : i32
    %rem3A_22 = arith.remsi %rem3A_20, %rem3A_21 : i32
    %add3A_23 = arith.constant 25344 : i32
    %add3A_24 = arith.addi %mul3A_2, %add3A_23 : i32
    %dma_wait3A = arith.constant 0 : i32
    %dma_wait3A_25 = arith.constant 0 : i32
    %dma_wait3A_26 = tpu.memref_slice %arg6[%rem3A_22, %dma_wait3A, %dma_wait3A_25] : memref<2x128x384xf32, #tpu.memory_space<vmem>> -> memref<1x128x384xf32, #tpu.memory_space<vmem>>
    %dma_wait3A_27 = tpu.memref_squeeze %dma_wait3A_26 : memref<1x128x384xf32, #tpu.memory_space<vmem>> -> memref<128x384xf32, #tpu.memory_space<vmem>>
    %dma_wait3A_28 = arith.constant 0 : i32
    %dma_wait3A_29 = arith.constant 0 : i32
    %dma_wait3A_30 = tpu.memref_slice %dma_wait3A_27[%dma_wait3A_28, %dma_wait3A_29] : memref<128x384xf32, #tpu.memory_space<vmem>> -> memref<128x256xf32, #tpu.memory_space<vmem>>
    %dma_wait3A_31 = arith.constant 0 : i32
    %dma_wait3A_32 = tpu.memref_slice %arg4[%add3A_24, %dma_wait3A_31] : memref<819200x300xf32, #tpu.memory_space<hbm>> -> memref<128x300xf32, #tpu.memory_space<hbm>>
    %dma_wait3A_33 = arith.constant 0 : i32
    %dma_wait3A_34 = arith.constant 0 : i32
    %dma_wait3A_35 = tpu.memref_slice %dma_wait3A_32[%dma_wait3A_33, %dma_wait3A_34] : memref<128x300xf32, #tpu.memory_space<hbm>> -> memref<128x256xf32, #tpu.memory_space<hbm>>
    %dma_wait3A_36 = arith.constant 0 : i32
    %dma_wait3A_37 = tpu.memref_slice %arg4[%add3A_24, %dma_wait3A_36] : memref<819200x300xf32, #tpu.memory_space<hbm>> -> memref<128x300xf32, #tpu.memory_space<hbm>>
    %dma_wait3A_38 = arith.constant 0 : i32
    %dma_wait3A_39 = arith.constant 0 : i32
    %dma_wait3A_40 = tpu.memref_slice %dma_wait3A_37[%dma_wait3A_38, %dma_wait3A_39] : memref<128x300xf32, #tpu.memory_space<hbm>> -> memref<128x256xf32, #tpu.memory_space<hbm>>
    %dma_wait3A_41 = arith.constant 0 : i32
    %dma_wait3A_42 = arith.constant 0 : i32
    %dma_wait3A_43 = tpu.memref_slice %arg6[%rem3A_22, %dma_wait3A_41, %dma_wait3A_42] : memref<2x128x384xf32, #tpu.memory_space<vmem>> -> memref<1x128x384xf32, #tpu.memory_space<vmem>>
    %dma_wait3A_44 = tpu.memref_squeeze %dma_wait3A_43 : memref<1x128x384xf32, #tpu.memory_space<vmem>> -> memref<128x384xf32, #tpu.memory_space<vmem>>
    %dma_wait3A_45 = arith.constant 0 : i32
    %dma_wait3A_46 = arith.constant 0 : i32
    %dma_wait3A_47 = tpu.memref_slice %dma_wait3A_44[%dma_wait3A_45, %dma_wait3A_46] : memref<128x384xf32, #tpu.memory_space<vmem>> -> memref<128x256xf32, #tpu.memory_space<vmem>>
    tpu.wait_dma2 semaphore(%arg9 : memref<!tpu.dma_semaphore, #tpu.memory_space<semaphore_mem>>) src(%dma_wait3A_47 : memref<128x256xf32, #tpu.memory_space<vmem>>) dst(%dma_wait3A_40 : memref<128x256xf32, #tpu.memory_space<hbm>>)
    %rem3A_48 = arith.constant 199 : i32
    %rem3A_49 = arith.constant 2 : i32
    %rem3A_50 = arith.remsi %rem3A_48, %rem3A_49 : i32
    %add3A_51 = arith.constant 25472 : i32
    %add3A_52 = arith.addi %mul3A_2, %add3A_51 : i32
    %dma_wait3A_53 = arith.constant 0 : i32
    %dma_wait3A_54 = arith.constant 0 : i32
    %dma_wait3A_55 = tpu.memref_slice %arg6[%rem3A_50, %dma_wait3A_53, %dma_wait3A_54] : memref<2x128x384xf32, #tpu.memory_space<vmem>> -> memref<1x128x384xf32, #tpu.memory_space<vmem>>
    %dma_wait3A_56 = tpu.memref_squeeze %dma_wait3A_55 : memref<1x128x384xf32, #tpu.memory_space<vmem>> -> memref<128x384xf32, #tpu.memory_space<vmem>>
    %dma_wait3A_57 = arith.constant 0 : i32
    %dma_wait3A_58 = arith.constant 0 : i32
    %dma_wait3A_59 = tpu.memref_slice %dma_wait3A_56[%dma_wait3A_57, %dma_wait3A_58] : memref<128x384xf32, #tpu.memory_space<vmem>> -> memref<128x256xf32, #tpu.memory_space<vmem>>
    %dma_wait3A_60 = arith.constant 0 : i32
    %dma_wait3A_61 = tpu.memref_slice %arg4[%add3A_52, %dma_wait3A_60] : memref<819200x300xf32, #tpu.memory_space<hbm>> -> memref<128x300xf32, #tpu.memory_space<hbm>>
    %dma_wait3A_62 = arith.constant 0 : i32
    %dma_wait3A_63 = arith.constant 0 : i32
    %dma_wait3A_64 = tpu.memref_slice %dma_wait3A_61[%dma_wait3A_62, %dma_wait3A_63] : memref<128x300xf32, #tpu.memory_space<hbm>> -> memref<128x256xf32, #tpu.memory_space<hbm>>
    %dma_wait3A_65 = arith.constant 0 : i32
    %dma_wait3A_66 = tpu.memref_slice %arg4[%add3A_52, %dma_wait3A_65] : memref<819200x300xf32, #tpu.memory_space<hbm>> -> memref<128x300xf32, #tpu.memory_space<hbm>>
    %dma_wait3A_67 = arith.constant 0 : i32
    %dma_wait3A_68 = arith.constant 0 : i32
    %dma_wait3A_69 = tpu.memref_slice %dma_wait3A_66[%dma_wait3A_67, %dma_wait3A_68] : memref<128x300xf32, #tpu.memory_space<hbm>> -> memref<128x256xf32, #tpu.memory_space<hbm>>
    %dma_wait3A_70 = arith.constant 0 : i32
    %dma_wait3A_71 = arith.constant 0 : i32
    %dma_wait3A_72 = tpu.memref_slice %arg6[%rem3A_50, %dma_wait3A_70, %dma_wait3A_71] : memref<2x128x384xf32, #tpu.memory_space<vmem>> -> memref<1x128x384xf32, #tpu.memory_space<vmem>>
    %dma_wait3A_73 = tpu.memref_squeeze %dma_wait3A_72 : memref<1x128x384xf32, #tpu.memory_space<vmem>> -> memref<128x384xf32, #tpu.memory_space<vmem>>
    %dma_wait3A_74 = arith.constant 0 : i32
    %dma_wait3A_75 = arith.constant 0 : i32
    %dma_wait3A_76 = tpu.memref_slice %dma_wait3A_73[%dma_wait3A_74, %dma_wait3A_75] : memref<128x384xf32, #tpu.memory_space<vmem>> -> memref<128x256xf32, #tpu.memory_space<vmem>>
    tpu.wait_dma2 semaphore(%arg9 : memref<!tpu.dma_semaphore, #tpu.memory_space<semaphore_mem>>) src(%dma_wait3A_76 : memref<128x256xf32, #tpu.memory_space<vmem>>) dst(%dma_wait3A_69 : memref<128x256xf32, #tpu.memory_space<hbm>>)
    %add3A_77 = arith.constant 25472 : i32
    %add3A_78 = arith.addi %mul3A_2, %add3A_77 : i32
    %dma_wait3A_79 = arith.constant 0 : i32
    %dma_wait3A_80 = tpu.memref_slice %arg4[%add3A_78, %dma_wait3A_79] : memref<819200x300xf32, #tpu.memory_space<hbm>> -> memref<128x300xf32, #tpu.memory_space<hbm>>
    %dma_wait3A_81 = arith.constant 0 : i32
    %dma_wait3A_82 = arith.constant 256 : i32
    %dma_wait3A_83 = tpu.memref_slice %dma_wait3A_80[%dma_wait3A_81, %dma_wait3A_82] : memref<128x300xf32, #tpu.memory_space<hbm>> -> memref<128x44xf32, #tpu.memory_space<hbm>>
    %dma_wait3A_84 = arith.constant 0 : i32
    %dma_wait3A_85 = tpu.memref_slice %arg4[%add3A_78, %dma_wait3A_84] : memref<819200x300xf32, #tpu.memory_space<hbm>> -> memref<128x300xf32, #tpu.memory_space<hbm>>
    %dma_wait3A_86 = arith.constant 0 : i32
    %dma_wait3A_87 = arith.constant 256 : i32
    %dma_wait3A_88 = tpu.memref_slice %dma_wait3A_85[%dma_wait3A_86, %dma_wait3A_87] : memref<128x300xf32, #tpu.memory_space<hbm>> -> memref<128x44xf32, #tpu.memory_space<hbm>>
    tpu.wait_dma2 semaphore(%arg10 : memref<!tpu.dma_semaphore, #tpu.memory_space<semaphore_mem>>) src(%arg7 : memref<128x44xf32, #tpu.memory_space<vmem>>) dst(%dma_wait3A_88 : memref<128x44xf32, #tpu.memory_space<hbm>>)
    return
  }
}

module attributes {stable_mosaic.version = 14 : i64} {
  func.func @_add_body(%arg0: i32, %arg1: memref<1000x300xf32, #tpu.memory_space<vmem>>, %arg2: memref<1000x300xf32, #tpu.memory_space<vmem>>, %arg3: memref<1000x384xf32, #tpu.memory_space<vmem>>) attributes {dimension_semantics = [#tpu.dimension_semantics<arbitrary>], iteration_bounds = array<i64: 100>, scalar_prefetch = 0 : i64, scratch_operands = 0 : i64, tpu.core_type = #tpu.core_type<tc>, window_params = [{transform_indices = @transform_0, window_bounds = array<i64: 1000, 300>}, {transform_indices = @transform_1, window_bounds = array<i64: 1000, 300>}, {transform_indices = @transform_2, window_bounds = array<i64: 1000, 384>}]} {
    %get3A = arith.constant 0 : index
    %get3A_0 = arith.constant 0 : index
    %get3A_1 = vector.load %arg1[%get3A, %get3A_0] : memref<1000x300xf32, #tpu.memory_space<vmem>>, vector<1000x300xf32>
    %get3A_2 = arith.constant 0 : index
    %get3A_3 = arith.constant 0 : index
    %get3A_4 = vector.load %arg2[%get3A_2, %get3A_3] : memref<1000x300xf32, #tpu.memory_space<vmem>>, vector<1000x300xf32>
    %add3A = arith.addf %get3A_1, %get3A_4 : vector<1000x300xf32>
    %swap3A = arith.constant 0 : index
    %swap3A_5 = arith.constant 0 : index
    %swap3A_6 = vector.load %arg3[%swap3A, %swap3A_5] : memref<1000x384xf32, #tpu.memory_space<vmem>>, vector<1000x300xf32>
    tpu.vector_store %arg3[%swap3A, %swap3A_5], %add3A {strides = array<i32>} : memref<1000x384xf32, #tpu.memory_space<vmem>>, vector<1000x300xf32>,
    %broadcast_in_dim3A = arith.constant 0.000000e+00 : f32
    %broadcast_in_dim3A_7 = vector.broadcast %broadcast_in_dim3A : f32 to vector<1000x84xf32>
    %swap3A_8 = arith.constant 0 : index
    %swap3A_9 = arith.constant 300 : index
    %swap3A_10 = vector.load %arg3[%swap3A_8, %swap3A_9] : memref<1000x384xf32, #tpu.memory_space<vmem>>, vector<1000x84xf32>
    tpu.vector_store %arg3[%swap3A_8, %swap3A_9], %broadcast_in_dim3A_7 {strides = array<i32>} : memref<1000x384xf32, #tpu.memory_space<vmem>>, vector<1000x84xf32>,
    return
  }
  func.func @transform_0(%arg0: i32) -> (i32, i32) {
    %c0_i32 = arith.constant 0 : i32
    %c0_i32_0 = arith.constant 0 : i32
    return %arg0, %c0_i32 : i32, i32
  }
  func.func @transform_1(%arg0: i32) -> (i32, i32) {
    %c0_i32 = arith.constant 0 : i32
    %c0_i32_0 = arith.constant 0 : i32
    return %arg0, %c0_i32 : i32, i32
  }
  func.func @transform_2(%arg0: i32) -> (i32, i32) {
    %c0_i32 = arith.constant 0 : i32
    %c0_i32_0 = arith.constant 0 : i32
    return %arg0, %c0_i32 : i32, i32
  }
}

</mosaic_0001>

<sc_bundles>
// kernel: kernel.4.cloned.1.call-start
scs
__scs_entry_jumppad:
0x0: {  	(pc) =	sbr.rel $0x88, $3  }
0x1: {  	(tag) =	ssettag $0x0;
	lr =	simm.s32 $0x1  }
0x2: {  	[smem:$0x3F9E] =	sst lr;
	_ =	strace $0xD0000000  }
0x3: {  	_ = 	snop  }
0x4: {  	_ = 	snop  }
0x5: {  	_ = 	snop  }
0x6: {  	_ = 	snop  }
0x7: {  	_ = 	snop  }
__scs_overlays_trampoline_lowered:
0x8: {  	[smem:$0x3FAD] =	sst s0  }
0x9: {  	[smem:$0x3FAE] =	sst s1  }
0xa: {  	[smem:$0x3FAF] =	sst s2  }
0xb: {  	[smem:$0x3FB0] =	sst s3  }
0xc: {  	[smem:$0x3FB1] =	sst s4  }
0xd: {  	[smem:$0x3FB2] =	sst s5  }
0xe: {  	[smem:$0x3FB3] =	sst s6  }
0xf: {  	[smem:$0x3FB4] =	sst s7  }
0x10: {  	[smem:$0x3FB5] =	sst s8  }
0x11: {  	[smem:$0x3FB6] =	sst s9;
	s0 =	simm.s32 @!p0 $0x0  }
0x12: {  	s1 =	sld [smem:$0x3F9C];
	s0 =	simm.s32 @p0 $0x1  }
0x13: {  	[smem:$0x3FB7] =	sst s0;
	s0 =	simm.s32 @!p1 $0x0  }
0x14: {  	s2 =	sld [smem:$0x3F9B];
	s0 =	simm.s32 @p1 $0x1  }
0x15: {  	[smem:$0x3FB8] =	sst s0;
	s0 =	simm.s32 @!p2 $0x0  }
0x16: {  	s3 =	sld [smem:$0x3FDB];
	s0 =	simm.s32 @p2 $0x1  }
0x17: {  	s4 =	simm.s32 $0x1BF5;
	[smem:$0x3FBA] =	sst s0  }
0x18: {  	s0 =	sld [smem:$0x3F9D];
	_ =	swait.ge [sflag:s4], $0x0  }
0x19: {  	s7 =	sld [smem:$0x3F9E]  }
0x1a: {  	s8 =	sadd.s32 $0xFFFFE003, lr  }
0x1b: {  	s9 =	sadd.s32 $0xFFFFFEF7, lr;
	s5 =	simm.s32 $0xFFFFFFFF;
	p2 =	slt.u32 s8, $0xFFFFF086  }
0x1c: {  	p1 =	slt.u32 s9, $0xF7A;
	s5 =	simm.s32 @!p2 $0x0  }
0x1d: {  	s5 =	simm.s32 @p1 $0x1;
	p0 =	seq.s32 s7, s2  }
0x1e: {  	s7 =	smul.u32 @!p0 $0xF7A, s2;
	p2 =	seq.s32 @!p0 s5, $0x0  }
0x1f: {  	s9 =	smul.u32 $0xF7A, s1;
	s8 =	simm.s32 @!p0 $0x1BF5;
	p2 =	por !p2, p0  }
0x20: {  	[sflag:s8] =	ssyncset.s32 @!p0 $0xFFFFF086;
	s6 =	sadd.s32 @!p0 s3, s7;
	s7 =	simm.s32 @!p0 $0x108  }
0x21: {  	s3 =	sadd.s32 s3, s9;
	s6 =	sadd.s32 @!p0 $0x88, s6;
	s7 =	simm.s32 @p2 $0x1082  }
0x22: {  	[simem:s7], [sflag:s8] =	dma.local @!p0 [hbm:s6], $0xF7A  }
0x23: {  	s9 =	sor.u32 $0xD0000000, s2;
	s6 =	simm.s32 $0x108;
	_ =	swait.ge @!p0 [sflag:s8], $0x0  }
0x24: {  	s3 =	sadd.s32 $0x88, s3;
	s6 =	simm.s32 @!p1 $0x1082;
	[sflag:s4] =	ssyncset.s32 $0xFFFFF086  }
0x25: {  	[simem:s6], [sflag:s4] =	dma.local [hbm:s3], $0xF7A  }
0x26: {  	[smem:$0x3F9E] =	sst s1;
	(tag) =	ssettag s2;
	_ =	strace s9  }
0x27: {  	s1 =	sld [smem:$0x3FAE]  }
0x28: {  	s2 =	sld [smem:$0x3FAF]  }
0x29: {  	s4 =	sld [smem:$0x3FB1]  }
0x2a: {  	p0 =	seq.s32 s5, $0x0;
	s5 =	sld [smem:$0x3FB2]  }
0x2b: {  	s6 =	sld [smem:$0x3FB3]  }
0x2c: {  	s7 =	sld [smem:$0x3FB4]  }
0x2d: {  	s3 =	simm.s32 $0x108;
	s8 =	sld [smem:$0x3FB5]  }
0x2e: {  	s3 =	simm.s32 @!p0 $0x1082;
	s9 =	sld [smem:$0x3FB6]  }
0x2f: {  	lr =	sadd.s32 s0, s3;
	s0 =	sld [smem:$0x3FAD]  }
0x30: {  	s3 =	sld [smem:$0x3FB0]  }
0x31: {  	[smem:$0x3FB9] =	sst s10  }
0x32: {  	s10 =	sld [smem:$0x3FB7];
	_ =	sdelay $0x3  }
0x33: {  	p0 =	seq.s32 s10, $0x1;
	s10 =	sld [smem:$0x3FB9];
	_ =	sdelay $0x3  }
0x34: {  	[smem:$0x3FB9] =	sst s10  }
0x35: {  	s10 =	sld [smem:$0x3FB8];
	_ =	sdelay $0x3  }
0x36: {  	p1 =	seq.s32 s10, $0x1;
	s10 =	sld [smem:$0x3FB9];
	_ =	sdelay $0x3  }
0x37: {  	[smem:$0x3FB9] =	sst s10  }
0x38: {  	s10 =	sld [smem:$0x3FBA]  }
0x39: {  	_ = 	snop;
	(pc) =	sbr.ind lr, $3  }
0x3a: {  	_ = 	snop  }
0x3b: {  	_ = 	snop  }
0x3c: {  	p2 =	seq.s32 s10, $0x1;
	s10 =	sld [smem:$0x3FB9]  }
0x3d: {  	_ =	shalt  }
0x3e: {  	_ =	shalt  }
0x3f: {  	_ =	shalt  }
0x40: {  	_ =	shalt  }
0x41: {  	_ =	shalt  }
0x42: {  	_ =	shalt  }
0x43: {  	_ =	shalt  }
0x44: {  	_ =	shalt  }
0x45: {  	_ =	shalt  }
0x46: {  	_ =	shalt  }
0x47: {  	_ =	shalt  }
0x48: {  	_ =	shalt  }
0x49: {  	_ =	shalt  }
0x4a: {  	_ =	shalt  }
0x4b: {  	_ =	shalt  }
0x4c: {  	_ =	shalt  }
0x4d: {  	_ =	shalt  }
0x4e: {  	_ =	shalt  }
0x4f: {  	_ =	shalt  }
0x50: {  	_ =	shalt  }
0x51: {  	_ =	shalt  }
0x52: {  	_ =	shalt  }
0x53: {  	_ =	shalt  }
0x54: {  	_ =	shalt  }
0x55: {  	_ =	shalt  }
0x56: {  	_ =	shalt  }
0x57: {  	_ =	shalt  }
0x58: {  	_ =	shalt  }
0x59: {  	_ =	shalt  }
0x5a: {  	_ =	shalt  }
0x5b: {  	_ =	shalt  }
0x5c: {  	_ =	shalt  }
0x5d: {  	_ =	shalt  }
0x5e: {  	_ =	shalt  }
0x5f: {  	_ =	shalt  }
0x60: {  	_ =	shalt  }
0x61: {  	_ =	shalt  }
0x62: {  	_ =	shalt  }
0x63: {  	_ =	shalt  }
0x64: {  	_ =	shalt  }
0x65: {  	_ =	shalt  }
0x66: {  	_ =	shalt  }
0x67: {  	_ =	shalt  }
0x68: {  	_ =	shalt  }
0x69: {  	_ =	shalt  }
0x6a: {  	_ =	shalt  }
0x6b: {  	_ =	shalt  }
0x6c: {  	_ =	shalt  }
0x6d: {  	_ =	shalt  }
0x6e: {  	_ =	shalt  }
0x6f: {  	_ =	shalt  }
0x70: {  	_ =	shalt  }
0x71: {  	_ =	shalt  }
0x72: {  	_ =	shalt  }
0x73: {  	_ =	shalt  }
0x74: {  	_ =	shalt  }
0x75: {  	_ =	shalt  }
0x76: {  	_ =	shalt  }
0x77: {  	_ =	shalt  }
0x78: {  	_ =	shalt  }
0x79: {  	_ =	shalt  }
0x7a: {  	_ =	shalt  }
0x7b: {  	_ =	shalt  }
0x7c: {  	_ =	shalt  }
0x7d: {  	_ =	shalt  }
0x7e: {  	_ =	shalt  }
0x7f: {  	_ =	shalt  }
0x80: {  	_ =	shalt  }
0x81: {  	_ =	shalt  }
0x82: {  	_ =	shalt  }
0x83: {  	_ =	shalt  }
0x84: {  	_ =	shalt  }
0x85: {  	_ =	shalt  }
0x86: {  	_ =	shalt  }
0x87: {  	_ =	shalt  }
.Lfunc_end0:
.L_simem_size_0:
called_computation.1_lowered:
.L_overlay_start_0:
0x88: {  	s2 =	sld [smem:$0x3FD9]  }
0x89: {  	s3 =	sld [smem:$0x3FFE];
	_ =	sdelay $0x1  }
0x8a: {  	s1 =	srdreg.scid  }
0x8b: {  	s0 =	sand.u32 $0x1, s1  }
0x8c: {  	s16 =	sshll.u32 s0, $0xA;
	s2 =	sadd.s32 s3, s2  }
0x8d: {  	s2 =	sadd.s32 s2, s16  }
0x8e: {  	[smem:$0x3FC5] =	sst s2  }
0x8f: {  	_ = 	snop  }
0x90: {  	(tm) =	ssettm $0x1  }
0x91: {  	s17 =	sld [smem:$0x3FFB];
	_ =	sdelay $0x3  }
0x92: {  	_ =	strace s17  }
0x93: {  	s2 =	sld [smem:$0x3FFC];
	_ =	sdelay $0x3  }
0x94: {  	_ =	strace s2  }
0x95: {  	s2 =	sld [smem:$0x3FFD];
	_ =	sdelay $0x3  }
0x96: {  	_ =	strace s2  }
0x97: {  	_ =	strace $0x8FFFFFFF  }
0x98: {  	s18 =	sld [smem:$0x3FDB];
	_ =	sdelay $0x1  }
0x99: {  	s19 =	simm.s32 $_scs_section_size  }
0x9a: {  	s4 =	simm.s32 $_size__tile_overlayer_lowered;
	s5 =	simm.s32 $_tile_overlayer_lowered  }
0x9b: {  	s22 =	simm.s32 $0x1BFF;
	s21 =	sshll.u32 s5, $0x1;
	s2 =	sadd.s32 s19, s18  }
0x9c: {  	s6 =	simm.s32 $0x0;
	s20 =	sshll.u32 s4, $0x1;
	s4 =	sadd.s32 s21, s2  }
0x9d: {  	[timem:s6], [sflag:s22] =	dma.local [hbm:s4], s20  }
0x9e: {  	_ =	swait.ge [sflag:s22], s20  }
0x9f: {  	s3 =	ssub.s32 $0x0, s20;
	[sflag:s22] =	ssyncset.done $0x0  }
0xa0: {  	[sflag:s22] =	ssyncadd.s32 s3;
	_ =	sdelay $0x1  }
0xa1: {  	s23 =	simm.s32 $0x1B8B  }
0xa2: {  	_ =	swait.ge [sflag:s23], $0x1  }
0xa3: {  	[sflag:s23] =	ssyncset.done $0x0  }
0xa4: {  	s25 =	simm.s32 $0x1B8E;
	s24 =	sld [smem:$0x3FFE];
	[sflag:s23] =	ssyncadd.s32 $0xFFFFFFFF  }
0xa5: {  	s26 =	simm.s32 $execute0_lowered;
	[smem:$0x3FD2] =	sst s25  }
0xa6: {  	s4 =	sshll.u32 s26, $0x1;
	_ =	strace $0x80000046;
	[dreg:$0x1] =	wrdreg $0xFFFFFFFF  }
0xa7: {  	s28 =	simm.s32 $_size_execute0_lowered;
	s2 =	sadd.s32 s2, s4;
	[dreg:$0x0] =	wrdreg $0x0  }
0xa8: {  	s4 =	sshll.u32 s28, $0x1;
	[dreg:$0x2] =	wrdreg s2  }
0xa9: {  	[dreg:$0x3] =	wrdreg s4  }
0xaa: {  	[dreg:$0x4] =	wrdreg $0xC0  }
0xab: {  	_ =	task [dreg:s6], $0x5FFFF  }
0xac: {  	[dreg:$0x1] =	wrdreg $0xFFFFFFFF  }
0xad: {  	[dreg:$0x0] =	wrdreg $0x60  }
0xae: {  	[dreg:$0x2] =	wrdreg s24  }
0xaf: {  	[dreg:$0x3] =	wrdreg $0x9  }
0xb0: {  	_ =	task.clear_ibuf [dreg:s6], $0x4FFFF;
	_ =	strace $0x90000046  }
0xb1: {  	s29 =	simm.s32 $0x9;
	_ =	strace $0x80000048  }
0xb2: {  	_ =	swait.ge [sflag:s29], $0x1  }
0xb3: {  	[sflag:s29] =	ssyncadd.s32 $0xFFFFFFFF  }
0xb4: {  	_ =	strace $0x90000048  }
0xb5: {  	_ =	sfence  }
0xb6: {  	s30 =	sld [smem:$0x0];
	_ =	sdelay $0x2  }
0xb7: {  	s31 =	sshll.u32 s1, $0xD;
	s1 =	sshrl.u32 s1, $0x2  }
0xb8: {  	s3 =	sand.u32 $0x4000, s31;
	s1 =	sadd.s32 s1, s30  }
0xb9: {  	s0 =	sor.u32 s3, s0;
	s1 =	sshll.u32 s1, $0x11  }
0xba: {  	s0 =	sor.u32 s1, s0  }
0xbb: {  	s0 =	sadd.s32 $0x8F2B, s0  }
0xbc: {  	[sflag:s0] =	ssyncadd.remote.s32 $0x1  }
0xbd: {  	_ =	sfence.sel $0xFFFF  }
0xbe: {  	[dreg:$0x0] =	wrdreg $0xFFFFFFFF;
	(pc) =	sbr.abs _section_cstart, $3  }
0xbf: {  	[dreg:$0x1] =	wrdreg $0xFFFFFFFF  }
0xc0: {  	_ =	task.clear_ibuf [dreg:s6], $0x2FFFF;
	_ =	strace $0x9FFFFFFF  }
0xc1: {  	(tm) =	ssettm $0x7FFFFFFF  }
tec
execute0_lowered:
.L_overlay_start_1:
0x0: {  	(tag) =	ssettag $0x1  }
0x1: {  	s0 =	srdreg.scid;
	s2 =	stileid.u32  }
0x2: {  	s1 =	rddreg [dreg:$0x0];
	s10 =	simm.s32 $0x4;
	s14 =	simm.s32 $0xAC00  }
0x3: {  	s15 =	simm.s32 $0xB000;
	s16 =	simm.s32 $0xB800;
	s17 =	simm.s32 $0xBC00  }
0x4: {  	s18 =	simm.s32 $0xC400;
	s19 =	simm.s32 $0xC800;
	s20 =	simm.s32 $0xD000  }
0x5: {  	v0 =	vimm.s32 $0xBA987654;
	v1 =	vimm.s32 $0x3210FEDC;
	s21 =	simm.s32 $0x1;
	s22 =	simm.s32 $0x2;
	s23 =	simm.s32 $0x400  }
0x6: {  	s24 =	simm.s32 $0xC00;
	s25 =	simm.s32 $0x19400;
	s26 =	simm.s32 $0x3;
	v0 =	vunpack.c.l.s4.s8 v0;
	v1 =	vunpack.c.l.s4.s8 v1  }
0x7: {  	s28 =	simm.s32 $0x0;
	s0 =	sand.u32 $0x1, s0;
	s3 =	sshll.u32 s2, $0x1  }
0x8: {  	s2 =	simm.s32 $0x0;
	s4 =	sadd.s32 $0x4AD600, s1;
	s3 =	sor.u32 s0, s3;
	v2 =	vunpack.c.0.s8.s32 v0;
	v1 =	vunpack.c.0.s8.s32 v1  }
0x9: {  	v3 =	vlaneseq.u32;
	s5 =	sadd.s32 $0x800, s1;
	s0 =	ssub.s32 $0x2, s0;
	s3 =	smul.u32 $0x6400, s3  }
0xa: {  	vm0 =	vmmov $0xffff;
	vm1 =	vmmov $0xff;
	s6 =	sadd.s32 $0x941400, s1;
	[smem:$0x7FF] =	sst s2;
	s7 =	sshrl.u32 s0, $0x1;
	v5 =	vcombine.low v1, v2  }
0xb: {  	vm2 =	vmmov $0xf;
	v4 =	vshrl.u32 v3, $0x3;
	_ =	strace $0x80000047;
	v0 =	vand.u32 $0x7, v3;
	s0 =	ssub.s32 s0, s7;
	s8 =	sshrl.u32 s3, $0x3  }
0xc: {  	s9 =	smax.u32 s0, $0x1;
	v1 =	vmul.u32 $0x8, v4;
	v2 =	vor.u32 $0x8, v3;
	s7 =	sadd.s32 s5, s8;
	s8 =	sadd.s32 $0x4AD700, s1;
	v3 =	vand.u32 $0xF, v5  }
.LBB2_1:
0xd: {  	[tilespmem:s2], [sflag:$0x4] =	stream.linear.gather [hbm4b:s7+s2], $0x1400, $0x38;
	[tilespmem:$0x1D400] =	vst v63  }
0xe: {  	_ =	swait.ge [sflag:s10], $0x1400  }
0xf: {  	[sflag:s10] =	ssyncset.done $0x0  }
0x10: {  	[sflag:s10] =	ssyncadd.s32 $0xFFFFEC00  }
0x11: {  	v4 =	vld [tilespmem:$0x0];
	_ =	sdelay $0x4  }
0x12: {  	v5 =	vshrl.u32 v4, $0x3  }
0x13: {  	v5 =	vmul.u32 $0x18, v5  }
0x14: {  	v4 =	vand.u32 $0x7, v4  }
0x15: {  	v4 =	vor.u32 v4, v5  }
0x16: {  	v5 =	vperm.xlane v4, v0;
	_ =	sdelay $0x1  }
0x17: {  	v5 =	vadd.s32 v1, v5;
	_ =	sdelay $0x1  }
0x18: {  	v4 =	vperm.xlane v4, v2;
	_ =	sdelay $0x1  }
0x19: {  	s0 =	simm.s32 $0x1400;
	v4 =	vadd.s32 v1, v4  }
0x1a: {  	[tilespmem:s0], [sflag:$0x1] =	stream.indirect_vreg.gather [hbm4b:s4+s2], $0x80, v5, vm0, $0xb8;
	[tilespmem:$0x1D400] =	vst v63  }
0x1b: {  	s1 =	simm.s32 $0x1C00  }
0x1c: {  	[tilespmem:s1], [sflag:$0x1] =	stream.indirect_vreg.gather [hbm4b:s8+s2], $0x80, v5, vm1, $0xb8;
	[tilespmem:$0x1D400] =	vst v63  }
0x1d: {  	s11 =	simm.s32 $0x2000  }
0x1e: {  	[tilespmem:s11], [sflag:$0x1] =	stream.indirect_vreg.gather [hbm4b:s4+s2], $0x80, v4, vm0, $0xb8;
	[tilespmem:$0x1D400] =	vst v63  }
0x1f: {  	s12 =	simm.s32 $0x2800  }
0x20: {  	[tilespmem:s12], [sflag:$0x1] =	stream.indirect_vreg.gather [hbm4b:s8+s2], $0x80, v4, vm1, $0xb8;
	[tilespmem:$0x1D400] =	vst v63  }
0x21: {  	v4 =	vld [tilespmem:$0x10];
	_ =	sdelay $0x4  }
0x22: {  	v5 =	vshrl.u32 v4, $0x3  }
0x23: {  	v5 =	vmul.u32 $0x18, v5  }
0x24: {  	v4 =	vand.u32 $0x7, v4  }
0x25: {  	v4 =	vor.u32 v4, v5  }
0x26: {  	v5 =	vperm.xlane v4, v0;
	_ =	sdelay $0x1  }
0x27: {  	v5 =	vadd.s32 v1, v5;
	_ =	sdelay $0x1  }
0x28: {  	v4 =	vperm.xlane v4, v2;
	_ =	sdelay $0x1  }
0x29: {  	s13 =	simm.s32 $0x2C00;
	v4 =	vadd.s32 v1, v4  }
0x2a: {  	[tilespmem:s13], [sflag:$0x1] =	stream.indirect_vreg.gather [hbm4b:s4+s2], $0x80, v5, vm0, $0xb8;
	[tilespmem:$0x1D400] =	vst v63  }
0x2b: {  	s30 =	simm.s32 $0x3400  }
0x2c: {  	[tilespmem:s30], [sflag:$0x1] =	stream.indirect_vreg.gather [hbm4b:s8+s2], $0x80, v5, vm1, $0xb8;
	[tilespmem:$0x1D400] =	vst v63  }
0x2d: {  	s31 =	simm.s32 $0x3800  }
0x2e: {  	[tilespmem:s31], [sflag:$0x1] =	stream.indirect_vreg.gather [hbm4b:s4+s2], $0x80, v4, vm0, $0xb8;
	[tilespmem:$0x1D400] =	vst v63  }
0x2f: {  	s1 =	simm.s32 $0x4000  }
0x30: {  	[tilespmem:s1], [sflag:$0x1] =	stream.indirect_vreg.gather [hbm4b:s8+s2], $0x80, v4, vm1, $0xb8;
	[tilespmem:$0x1D400] =	vst v63  }
0x31: {  	v4 =	vld [tilespmem:$0x20];
	_ =	sdelay $0x4  }
0x32: {  	v5 =	vshrl.u32 v4, $0x3  }
0x33: {  	v5 =	vmul.u32 $0x18, v5  }
0x34: {  	v4 =	vand.u32 $0x7, v4  }
0x35: {  	v4 =	vor.u32 v4, v5  }
0x36: {  	v5 =	vperm.xlane v4, v0;
	_ =	sdelay $0x1  }
0x37: {  	v5 =	vadd.s32 v1, v5;
	_ =	sdelay $0x1  }
0x38: {  	v4 =	vperm.xlane v4, v2;
	_ =	sdelay $0x1  }
0x39: {  	s11 =	simm.s32 $0x4400;
	v4 =	vadd.s32 v1, v4  }
0x3a: {  	[tilespmem:s11], [sflag:$0x1] =	stream.indirect_vreg.gather [hbm4b:s4+s2], $0x80, v5, vm0, $0xb8;
	[tilespmem:$0x1D400] =	vst v63  }
0x3b: {  	s12 =	simm.s32 $0x4C00  }
0x3c: {  	[tilespmem:s12], [sflag:$0x1] =	stream.indirect_vreg.gather [hbm4b:s8+s2], $0x80, v5, vm1, $0xb8;
	[tilespmem:$0x1D400] =	vst v63  }
0x3d: {  	s13 =	simm.s32 $0x5000  }
0x3e: {  	[tilespmem:s13], [sflag:$0x1] =	stream.indirect_vreg.gather [hbm4b:s4+s2], $0x80, v4, vm0, $0xb8;
	[tilespmem:$0x1D400] =	vst v63  }
0x3f: {  	s30 =	simm.s32 $0x5800  }
0x40: {  	[tilespmem:s30], [sflag:$0x1] =	stream.indirect_vreg.gather [hbm4b:s8+s2], $0x80, v4, vm1, $0xb8;
	[tilespmem:$0x1D400] =	vst v63  }
0x41: {  	v4 =	vld [tilespmem:$0x30];
	_ =	sdelay $0x4  }
0x42: {  	v5 =	vshrl.u32 v4, $0x3  }
0x43: {  	v5 =	vmul.u32 $0x18, v5  }
0x44: {  	v4 =	vand.u32 $0x7, v4  }
0x45: {  	v4 =	vor.u32 v4, v5  }
0x46: {  	v5 =	vperm.xlane v4, v0;
	_ =	sdelay $0x1  }
0x47: {  	v5 =	vadd.s32 v1, v5;
	_ =	sdelay $0x1  }
0x48: {  	v4 =	vperm.xlane v4, v2;
	_ =	sdelay $0x1  }
0x49: {  	s31 =	simm.s32 $0x5C00;
	v4 =	vadd.s32 v1, v4  }
0x4a: {  	[tilespmem:s31], [sflag:$0x1] =	stream.indirect_vreg.gather [hbm4b:s4+s2], $0x80, v5, vm0, $0xb8;
	[tilespmem:$0x1D400] =	vst v63  }
0x4b: {  	s1 =	simm.s32 $0x6400  }
0x4c: {  	[tilespmem:s1], [sflag:$0x1] =	stream.indirect_vreg.gather [hbm4b:s8+s2], $0x80, v5, vm1, $0xb8;
	[tilespmem:$0x1D400] =	vst v63  }
0x4d: {  	s11 =	simm.s32 $0x6800  }
0x4e: {  	[tilespmem:s11], [sflag:$0x1] =	stream.indirect_vreg.gather [hbm4b:s4+s2], $0x80, v4, vm0, $0xb8;
	[tilespmem:$0x1D400] =	vst v63  }
0x4f: {  	s12 =	simm.s32 $0x7000  }
0x50: {  	[tilespmem:s12], [sflag:$0x1] =	stream.indirect_vreg.gather [hbm4b:s8+s2], $0x80, v4, vm1, $0xb8;
	[tilespmem:$0x1D400] =	vst v63  }
0x51: {  	v4 =	vld [tilespmem:$0x40];
	_ =	sdelay $0x4  }
0x52: {  	v5 =	vshrl.u32 v4, $0x3  }
0x53: {  	v5 =	vmul.u32 $0x18, v5  }
0x54: {  	v4 =	vand.u32 $0x7, v4  }
0x55: {  	v4 =	vor.u32 v4, v5  }
0x56: {  	v5 =	vperm.xlane v4, v0;
	_ =	sdelay $0x1  }
0x57: {  	v5 =	vadd.s32 v1, v5;
	_ =	sdelay $0x1  }
0x58: {  	v4 =	vperm.xlane v4, v2;
	_ =	sdelay $0x1  }
0x59: {  	s13 =	simm.s32 $0x7400;
	v4 =	vadd.s32 v1, v4  }
0x5a: {  	[tilespmem:s13], [sflag:$0x1] =	stream.indirect_vreg.gather [hbm4b:s4+s2], $0x80, v5, vm0, $0xb8;
	[tilespmem:$0x1D400] =	vst v63  }
0x5b: {  	s30 =	simm.s32 $0x7C00  }
0x5c: {  	[tilespmem:s30], [sflag:$0x1] =	stream.indirect_vreg.gather [hbm4b:s8+s2], $0x80, v5, vm1, $0xb8;
	[tilespmem:$0x1D400] =	vst v63  }
0x5d: {  	s31 =	simm.s32 $0x8000  }
0x5e: {  	[tilespmem:s31], [sflag:$0x1] =	stream.indirect_vreg.gather [hbm4b:s4+s2], $0x80, v4, vm0, $0xb8;
	[tilespmem:$0x1D400] =	vst v63  }
0x5f: {  	s1 =	simm.s32 $0x8800  }
0x60: {  	[tilespmem:s1], [sflag:$0x1] =	stream.indirect_vreg.gather [hbm4b:s8+s2], $0x80, v4, vm1, $0xb8;
	[tilespmem:$0x1D400] =	vst v63  }
0x61: {  	v4 =	vld [tilespmem:$0x50];
	_ =	sdelay $0x4  }
0x62: {  	v5 =	vshrl.u32 v4, $0x3  }
0x63: {  	v5 =	vmul.u32 $0x18, v5  }
0x64: {  	v4 =	vand.u32 $0x7, v4  }
0x65: {  	v4 =	vor.u32 v4, v5  }
0x66: {  	v5 =	vperm.xlane v4, v0;
	_ =	sdelay $0x1  }
0x67: {  	v5 =	vadd.s32 v1, v5;
	_ =	sdelay $0x1  }
0x68: {  	v4 =	vperm.xlane v4, v2;
	_ =	sdelay $0x1  }
0x69: {  	s11 =	simm.s32 $0x8C00;
	v4 =	vadd.s32 v1, v4  }
0x6a: {  	[tilespmem:s11], [sflag:$0x1] =	stream.indirect_vreg.gather [hbm4b:s4+s2], $0x80, v5, vm0, $0xb8;
	[tilespmem:$0x1D400] =	vst v63  }
0x6b: {  	s12 =	simm.s32 $0x9400  }
0x6c: {  	[tilespmem:s12], [sflag:$0x1] =	stream.indirect_vreg.gather [hbm4b:s8+s2], $0x80, v5, vm1, $0xb8;
	[tilespmem:$0x1D400] =	vst v63  }
0x6d: {  	s13 =	simm.s32 $0x9800  }
0x6e: {  	[tilespmem:s13], [sflag:$0x1] =	stream.indirect_vreg.gather [hbm4b:s4+s2], $0x80, v4, vm0, $0xb8;
	[tilespmem:$0x1D400] =	vst v63  }
0x6f: {  	s30 =	simm.s32 $0xA000  }
0x70: {  	[tilespmem:s30], [sflag:$0x1] =	stream.indirect_vreg.gather [hbm4b:s8+s2], $0x80, v4, vm1, $0xb8;
	[tilespmem:$0x1D400] =	vst v63  }
0x71: {  	v4 =	vld [tilespmem:$0x60];
	_ =	sdelay $0x4  }
0x72: {  	v5 =	vshrl.u32 v4, $0x3  }
0x73: {  	v5 =	vmul.u32 $0x18, v5  }
0x74: {  	v4 =	vand.u32 $0x7, v4  }
0x75: {  	v4 =	vor.u32 v4, v5  }
0x76: {  	v5 =	vperm.xlane v4, v0;
	_ =	sdelay $0x1  }
0x77: {  	v5 =	vadd.s32 v1, v5;
	_ =	sdelay $0x1  }
0x78: {  	v4 =	vperm.xlane v4, v2;
	_ =	sdelay $0x1  }
0x79: {  	s31 =	simm.s32 $0xA400;
	v4 =	vadd.s32 v1, v4  }
0x7a: {  	[tilespmem:s31], [sflag:$0x1] =	stream.indirect_vreg.gather [hbm4b:s4+s2], $0x80, v5, vm0, $0xb8;
	[tilespmem:$0x1D400] =	vst v63  }
0x7b: {  	_ = 	snop  }
0x7c: {  	[tilespmem:s14], [sflag:$0x1] =	stream.indirect_vreg.gather [hbm4b:s8+s2], $0x80, v5, vm1, $0xb8;
	[tilespmem:$0x1D400] =	vst v63  }
0x7d: {  	_ = 	snop  }
0x7e: {  	[tilespmem:s15], [sflag:$0x1] =	stream.indirect_vreg.gather [hbm4b:s4+s2], $0x80, v4, vm0, $0xb8;
	[tilespmem:$0x1D400] =	vst v63  }
0x7f: {  	_ = 	snop  }
0x80: {  	[tilespmem:s16], [sflag:$0x1] =	stream.indirect_vreg.gather [hbm4b:s8+s2], $0x80, v4, vm1, $0xb8;
	[tilespmem:$0x1D400] =	vst v63  }
0x81: {  	v4 =	vld [tilespmem:$0x70];
	_ =	sdelay $0x4  }
0x82: {  	v5 =	vshrl.u32 v4, $0x3  }
0x83: {  	v5 =	vmul.u32 $0x18, v5  }
0x84: {  	v4 =	vand.u32 $0x7, v4  }
0x85: {  	v4 =	vor.u32 v4, v5  }
0x86: {  	v5 =	vperm.xlane v4, v0;
	_ =	sdelay $0x1  }
0x87: {  	v5 =	vadd.s32 v1, v5;
	_ =	sdelay $0x1  }
0x88: {  	v4 =	vperm.xlane v4, v2;
	_ =	sdelay $0x1  }
0x89: {  	v4 =	vadd.s32 v1, v4  }
0x8a: {  	[tilespmem:s17], [sflag:$0x1] =	stream.indirect_vreg.gather [hbm4b:s4+s2], $0x80, v5, vm0, $0xb8;
	[tilespmem:$0x1D400] =	vst v63  }
0x8b: {  	_ = 	snop  }
0x8c: {  	[tilespmem:s18], [sflag:$0x1] =	stream.indirect_vreg.gather [hbm4b:s8+s2], $0x80, v5, vm1, $0xb8;
	[tilespmem:$0x1D400] =	vst v63  }
0x8d: {  	_ = 	snop  }
0x8e: {  	[tilespmem:s19], [sflag:$0x1] =	stream.indirect_vreg.gather [hbm4b:s4+s2], $0x80, v4, vm0, $0xb8;
	[tilespmem:$0x1D400] =	vst v63  }
0x8f: {  	s29 =	simm.s32 $0x0  }
0x90: {  	[tilespmem:s20], [sflag:$0x1] =	stream.indirect_vreg.gather [hbm4b:s8+s2], $0x80, v4, vm1, $0xb8;
	[tilespmem:$0x1D400] =	vst v63  }
.LBB2_2:
0x91: {  	s30 =	sadd.s32 $0x1, s29  }
0x92: {  	s0 =	sand.u32 $0xFF, s30  }
0x93: {  	s0 =	smul.u32 $0xCD, s0;
	_ =	sdelay $0x1  }
0x94: {  	s0 =	sshrl.u32 s0, $0xD  }
0x95: {  	s0 =	smul.u32 $0x28, s0;
	_ =	sdelay $0x1  }
0x96: {  	s1 =	ssub.s32 s30, s0  }
0x97: {  	s0 =	sand.u32 $0xFF, s1  }
0x98: {  	p0 =	seq.s32 s0, $0x0  }
.Ltmp0:
0x99: {  	_ = 	snop;
	(pc) =	sbr.rel @p0 .LBB2_4-.Ltmp0, $2  }
0x9a: {  	_ =	sdelay $0x2  }
0x9b: {  	s31 =	sand.u32 $0x1, s29  }
0x9c: {  	p0 =	seq.s32 s29, $0x0  }
0x9d: {  	s11 =	simm.s32 @!p0 $0x2  }
0x9e: {  	_ =	swait.ge @!p0 [sflag:s11], $0x8000  }
0x9f: {  	[sflag:s11] =	ssyncset.done @!p0 $0x0  }
0xa0: {  	[sflag:s11] =	ssyncadd.s32 @!p0 $0xFFFF8000;
	s11 =	sshll.u32 s0, $0x7  }
0xa1: {  	v4 =	vld [tilespmem:s11+$0x0];
	_ =	sdelay $0x4  }
0xa2: {  	v5 =	vshrl.u32 v4, $0x3  }
0xa3: {  	v5 =	vmul.u32 $0x18, v5  }
0xa4: {  	v4 =	vand.u32 $0x7, v4  }
0xa5: {  	v4 =	vor.u32 v4, v5  }
0xa6: {  	v5 =	vperm.xlane v4, v0;
	_ =	sdelay $0x1  }
0xa7: {  	s12 =	sxor.u32 $0x1, s31;
	v5 =	vadd.s32 v1, v5  }
0xa8: {  	s0 =	smul.u32 $0x30000, s12  }
0xa9: {  	v4 =	vperm.xlane v4, v2  }
0xaa: {  	s0 =	sshrl.u32 s0, $0x2  }
0xab: {  	s12 =	sor.u32 $0x1400, s0;
	v4 =	vadd.s32 v1, v4  }
0xac: {  	[tilespmem:s12], [sflag:$0x1] =	stream.indirect_vreg.gather [hbm4b:s4+s2], $0x80, v5, vm0, $0xb8;
	[tilespmem:$0x1D400] =	vst v63  }
0xad: {  	s13 =	sor.u32 $0x1C00, s0  }
0xae: {  	[tilespmem:s13], [sflag:$0x1] =	stream.indirect_vreg.gather [hbm4b:s8+s2], $0x80, v5, vm1, $0xb8;
	[tilespmem:$0x1D400] =	vst v63  }
0xaf: {  	s13 =	sor.u32 $0x2000, s0  }
0xb0: {  	[tilespmem:s13], [sflag:$0x1] =	stream.indirect_vreg.gather [hbm4b:s4+s2], $0x80, v4, vm0, $0xb8;
	[tilespmem:$0x1D400] =	vst v63  }
0xb1: {  	s13 =	sor.u32 $0x2800, s0  }
0xb2: {  	[tilespmem:s13], [sflag:$0x1] =	stream.indirect_vreg.gather [hbm4b:s8+s2], $0x80, v4, vm1, $0xb8;
	[tilespmem:$0x1D400] =	vst v63  }
0xb3: {  	v4 =	vld [tilespmem:s11+$0x10];
	_ =	sdelay $0x4  }
0xb4: {  	v5 =	vshrl.u32 v4, $0x3  }
0xb5: {  	v5 =	vmul.u32 $0x18, v5  }
0xb6: {  	v4 =	vand.u32 $0x7, v4  }
0xb7: {  	v4 =	vor.u32 v4, v5  }
0xb8: {  	v5 =	vperm.xlane v4, v0;
	_ =	sdelay $0x1  }
0xb9: {  	v5 =	vadd.s32 v1, v5;
	_ =	sdelay $0x1  }
0xba: {  	v4 =	vperm.xlane v4, v2;
	_ =	sdelay $0x1  }
0xbb: {  	s13 =	sor.u32 $0x2C00, s0;
	v4 =	vadd.s32 v1, v4  }
0xbc: {  	[tilespmem:s13], [sflag:$0x1] =	stream.indirect_vreg.gather [hbm4b:s4+s2], $0x80, v5, vm0, $0xb8;
	[tilespmem:$0x1D400] =	vst v63  }
0xbd: {  	s13 =	sor.u32 $0x3400, s0  }
0xbe: {  	[tilespmem:s13], [sflag:$0x1] =	stream.indirect_vreg.gather [hbm4b:s8+s2], $0x80, v5, vm1, $0xb8;
	[tilespmem:$0x1D400] =	vst v63  }
0xbf: {  	s13 =	sor.u32 $0x3800, s0  }
0xc0: {  	[tilespmem:s13], [sflag:$0x1] =	stream.indirect_vreg.gather [hbm4b:s4+s2], $0x80, v4, vm0, $0xb8;
	[tilespmem:$0x1D400] =	vst v63  }
0xc1: {  	s13 =	sadd.s32 $0x4000, s0  }
0xc2: {  	[tilespmem:s13], [sflag:$0x1] =	stream.indirect_vreg.gather [hbm4b:s8+s2], $0x80, v4, vm1, $0xb8;
	[tilespmem:$0x1D400] =	vst v63  }
0xc3: {  	v4 =	vld [tilespmem:s11+$0x20];
	_ =	sdelay $0x4  }
0xc4: {  	v5 =	vshrl.u32 v4, $0x3  }
0xc5: {  	v5 =	vmul.u32 $0x18, v5  }
0xc6: {  	v4 =	vand.u32 $0x7, v4  }
0xc7: {  	v4 =	vor.u32 v4, v5  }
0xc8: {  	v5 =	vperm.xlane v4, v0;
	_ =	sdelay $0x1  }
0xc9: {  	v5 =	vadd.s32 v1, v5;
	_ =	sdelay $0x1  }
0xca: {  	v4 =	vperm.xlane v4, v2;
	_ =	sdelay $0x1  }
0xcb: {  	s13 =	sadd.s32 $0x4400, s0;
	v4 =	vadd.s32 v1, v4  }
0xcc: {  	[tilespmem:s13], [sflag:$0x1] =	stream.indirect_vreg.gather [hbm4b:s4+s2], $0x80, v5, vm0, $0xb8;
	[tilespmem:$0x1D400] =	vst v63  }
0xcd: {  	s13 =	sadd.s32 $0x4C00, s0  }
0xce: {  	[tilespmem:s13], [sflag:$0x1] =	stream.indirect_vreg.gather [hbm4b:s8+s2], $0x80, v5, vm1, $0xb8;
	[tilespmem:$0x1D400] =	vst v63  }
0xcf: {  	s13 =	sadd.s32 $0x5000, s0  }
0xd0: {  	[tilespmem:s13], [sflag:$0x1] =	stream.indirect_vreg.gather [hbm4b:s4+s2], $0x80, v4, vm0, $0xb8;
	[tilespmem:$0x1D400] =	vst v63  }
0xd1: {  	s13 =	sadd.s32 $0x5800, s0  }
0xd2: {  	[tilespmem:s13], [sflag:$0x1] =	stream.indirect_vreg.gather [hbm4b:s8+s2], $0x80, v4, vm1, $0xb8;
	[tilespmem:$0x1D400] =	vst v63  }
0xd3: {  	v4 =	vld [tilespmem:s11+$0x30];
	_ =	sdelay $0x4  }
0xd4: {  	v5 =	vshrl.u32 v4, $0x3  }
0xd5: {  	v5 =	vmul.u32 $0x18, v5  }
0xd6: {  	v4 =	vand.u32 $0x7, v4  }
0xd7: {  	v4 =	vor.u32 v4, v5  }
0xd8: {  	v5 =	vperm.xlane v4, v0;
	_ =	sdelay $0x1  }
0xd9: {  	v5 =	vadd.s32 v1, v5;
	_ =	sdelay $0x1  }
0xda: {  	v4 =	vperm.xlane v4, v2;
	_ =	sdelay $0x1  }
0xdb: {  	s13 =	sadd.s32 $0x5C00, s0;
	v4 =	vadd.s32 v1, v4  }
0xdc: {  	[tilespmem:s13], [sflag:$0x1] =	stream.indirect_vreg.gather [hbm4b:s4+s2], $0x80, v5, vm0, $0xb8;
	[tilespmem:$0x1D400] =	vst v63  }
0xdd: {  	s13 =	sadd.s32 $0x6400, s0  }
0xde: {  	[tilespmem:s13], [sflag:$0x1] =	stream.indirect_vreg.gather [hbm4b:s8+s2], $0x80, v5, vm1, $0xb8;
	[tilespmem:$0x1D400] =	vst v63  }
0xdf: {  	s13 =	sadd.s32 $0x6800, s0  }
0xe0: {  	[tilespmem:s13], [sflag:$0x1] =	stream.indirect_vreg.gather [hbm4b:s4+s2], $0x80, v4, vm0, $0xb8;
	[tilespmem:$0x1D400] =	vst v63  }
0xe1: {  	s13 =	sadd.s32 $0x7000, s0  }
0xe2: {  	[tilespmem:s13], [sflag:$0x1] =	stream.indirect_vreg.gather [hbm4b:s8+s2], $0x80, v4, vm1, $0xb8;
	[tilespmem:$0x1D400] =	vst v63  }
0xe3: {  	v4 =	vld [tilespmem:s11+$0x40];
	_ =	sdelay $0x4  }
0xe4: {  	v5 =	vshrl.u32 v4, $0x3  }
0xe5: {  	v5 =	vmul.u32 $0x18, v5  }
0xe6: {  	v4 =	vand.u32 $0x7, v4  }
0xe7: {  	v4 =	vor.u32 v4, v5  }
0xe8: {  	v5 =	vperm.xlane v4, v0;
	_ =	sdelay $0x1  }
0xe9: {  	v5 =	vadd.s32 v1, v5;
	_ =	sdelay $0x1  }
0xea: {  	v4 =	vperm.xlane v4, v2;
	_ =	sdelay $0x1  }
0xeb: {  	s13 =	sadd.s32 $0x7400, s0;
	v4 =	vadd.s32 v1, v4  }
0xec: {  	[tilespmem:s13], [sflag:$0x1] =	stream.indirect_vreg.gather [hbm4b:s4+s2], $0x80, v5, vm0, $0xb8;
	[tilespmem:$0x1D400] =	vst v63  }
0xed: {  	s13 =	sadd.s32 $0x7C00, s0  }
0xee: {  	[tilespmem:s13], [sflag:$0x1] =	stream.indirect_vreg.gather [hbm4b:s8+s2], $0x80, v5, vm1, $0xb8;
	[tilespmem:$0x1D400] =	vst v63  }
0xef: {  	s13 =	sadd.s32 $0x8000, s0  }
0xf0: {  	[tilespmem:s13], [sflag:$0x1] =	stream.indirect_vreg.gather [hbm4b:s4+s2], $0x80, v4, vm0, $0xb8;
	[tilespmem:$0x1D400] =	vst v63  }
0xf1: {  	s13 =	sadd.s32 $0x8800, s0  }
0xf2: {  	[tilespmem:s13], [sflag:$0x1] =	stream.indirect_vreg.gather [hbm4b:s8+s2], $0x80, v4, vm1, $0xb8;
	[tilespmem:$0x1D400] =	vst v63  }
0xf3: {  	v4 =	vld [tilespmem:s11+$0x50];
	_ =	sdelay $0x4  }
0xf4: {  	v5 =	vshrl.u32 v4, $0x3  }
0xf5: {  	v5 =	vmul.u32 $0x18, v5  }
0xf6: {  	v4 =	vand.u32 $0x7, v4  }
0xf7: {  	v4 =	vor.u32 v4, v5  }
0xf8: {  	v5 =	vperm.xlane v4, v0;
	_ =	sdelay $0x1  }
0xf9: {  	v5 =	vadd.s32 v1, v5;
	_ =	sdelay $0x1  }
0xfa: {  	v4 =	vperm.xlane v4, v2;
	_ =	sdelay $0x1  }
0xfb: {  	s13 =	sadd.s32 $0x8C00, s0;
	v4 =	vadd.s32 v1, v4  }
0xfc: {  	[tilespmem:s13], [sflag:$0x1] =	stream.indirect_vreg.gather [hbm4b:s4+s2], $0x80, v5, vm0, $0xb8;
	[tilespmem:$0x1D400] =	vst v63  }
0xfd: {  	s13 =	sadd.s32 $0x9400, s0  }
0xfe: {  	[tilespmem:s13], [sflag:$0x1] =	stream.indirect_vreg.gather [hbm4b:s8+s2], $0x80, v5, vm1, $0xb8;
	[tilespmem:$0x1D400] =	vst v63  }
0xff: {  	s13 =	sadd.s32 $0x9800, s0  }
0x100: {  	[tilespmem:s13], [sflag:$0x1] =	stream.indirect_vreg.gather [hbm4b:s4+s2], $0x80, v4, vm0, $0xb8;
	[tilespmem:$0x1D400] =	vst v63  }
0x101: {  	s13 =	sadd.s32 $0xA000, s0  }
0x102: {  	[tilespmem:s13], [sflag:$0x1] =	stream.indirect_vreg.gather [hbm4b:s8+s2], $0x80, v4, vm1, $0xb8;
	[tilespmem:$0x1D400] =	vst v63  }
0x103: {  	v4 =	vld [tilespmem:s11+$0x60];
	_ =	sdelay $0x4  }
0x104: {  	v5 =	vshrl.u32 v4, $0x3  }
0x105: {  	v5 =	vmul.u32 $0x18, v5  }
0x106: {  	v4 =	vand.u32 $0x7, v4  }
0x107: {  	v4 =	vor.u32 v4, v5  }
0x108: {  	v5 =	vperm.xlane v4, v0;
	_ =	sdelay $0x1  }
0x109: {  	v5 =	vadd.s32 v1, v5;
	_ =	sdelay $0x1  }
0x10a: {  	v4 =	vperm.xlane v4, v2;
	_ =	sdelay $0x1  }
0x10b: {  	s13 =	sadd.s32 $0xA400, s0;
	v4 =	vadd.s32 v1, v4  }
0x10c: {  	[tilespmem:s13], [sflag:$0x1] =	stream.indirect_vreg.gather [hbm4b:s4+s2], $0x80, v5, vm0, $0xb8;
	[tilespmem:$0x1D400] =	vst v63  }
0x10d: {  	s13 =	sadd.s32 $0xAC00, s0  }
0x10e: {  	[tilespmem:s13], [sflag:$0x1] =	stream.indirect_vreg.gather [hbm4b:s8+s2], $0x80, v5, vm1, $0xb8;
	[tilespmem:$0x1D400] =	vst v63  }
0x10f: {  	s13 =	sadd.s32 $0xB000, s0  }
0x110: {  	[tilespmem:s13], [sflag:$0x1] =	stream.indirect_vreg.gather [hbm4b:s4+s2], $0x80, v4, vm0, $0xb8;
	[tilespmem:$0x1D400] =	vst v63  }
0x111: {  	s13 =	sadd.s32 $0xB800, s0  }
0x112: {  	[tilespmem:s13], [sflag:$0x1] =	stream.indirect_vreg.gather [hbm4b:s8+s2], $0x80, v4, vm1, $0xb8;
	[tilespmem:$0x1D400] =	vst v63  }
0x113: {  	v4 =	vld [tilespmem:s11+$0x70];
	_ =	sdelay $0x4  }
0x114: {  	v5 =	vshrl.u32 v4, $0x3  }
0x115: {  	v5 =	vmul.u32 $0x18, v5  }
0x116: {  	v4 =	vand.u32 $0x7, v4  }
0x117: {  	v4 =	vor.u32 v4, v5  }
0x118: {  	v5 =	vperm.xlane v4, v0;
	_ =	sdelay $0x1  }
0x119: {  	v5 =	vadd.s32 v1, v5;
	_ =	sdelay $0x1  }
0x11a: {  	v4 =	vperm.xlane v4, v2;
	_ =	sdelay $0x1  }
0x11b: {  	s13 =	sadd.s32 $0xBC00, s0;
	v4 =	vadd.s32 v1, v4  }
0x11c: {  	[tilespmem:s13], [sflag:$0x1] =	stream.indirect_vreg.gather [hbm4b:s4+s2], $0x80, v5, vm0, $0xb8;
	[tilespmem:$0x1D400] =	vst v63  }
0x11d: {  	s12 =	sadd.s32 $0xC400, s0  }
0x11e: {  	[tilespmem:s12], [sflag:$0x1] =	stream.indirect_vreg.gather [hbm4b:s8+s2], $0x80, v5, vm1, $0xb8;
	[tilespmem:$0x1D400] =	vst v63  }
0x11f: {  	s13 =	sadd.s32 $0xC800, s0  }
0x120: {  	[tilespmem:s13], [sflag:$0x1] =	stream.indirect_vreg.gather [hbm4b:s4+s2], $0x80, v4, vm0, $0xb8;
	[tilespmem:$0x1D400] =	vst v63  }
0x121: {  	s0 =	sadd.s32 $0xD000, s0  }
0x122: {  	[tilespmem:s0], [sflag:$0x1] =	stream.indirect_vreg.gather [hbm4b:s8+s2], $0x80, v4, vm1, $0xb8;
	[tilespmem:$0x1D400] =	vst v63  }
.LBB2_4:
0x123: {  	p0 =	seq.s32 s29, $0xC7  }
0x124: {  	s0 =	sand.u32 @!p0 $0xFF, s1  }
0x125: {  	p1 =	sne.s32 @!p0 s0, $0x0  }
0x126: {  	p0 =	por p0, p1  }
.Ltmp1:
0x127: {  	_ = 	snop;
	(pc) =	sbr.rel @p0 .LBB2_6-.Ltmp1, $4  }
0x128: {  	_ = 	snop  }
0x129: {  	_ =	swait.ge [sflag:s21], $0xC000  }
0x12a: {  	[sflag:s21] =	ssyncset.done $0x0  }
0x12b: {  	[sflag:s21] =	ssyncadd.s32 $0xFFFF4000  }
0x12c: {  	s0 =	sshll.u32 s30, $0x7  }
0x12d: {  	s1 =	sand.u32 $0xFC00, s0  }
0x12e: {  	s0 =	sand.u32 $0x380, s0;
	s1 =	sadd.s32 s3, s1  }
0x12f: {  	s0 =	sor.u32 s0, s1  }
0x130: {  	s0 =	sshrl.u32 s0, $0x3  }
0x131: {  	s0 =	sadd.s32 s5, s0  }
0x132: {  	[tilespmem:s2], [sflag:$0x4] =	stream.linear.gather [hbm4b:s0+s2], $0x1400, $0x38;
	[tilespmem:$0x1D400] =	vst v63  }
0x133: {  	_ =	swait.ge [sflag:s10], $0x1400  }
0x134: {  	[sflag:s10] =	ssyncset.done $0x0  }
0x135: {  	[sflag:s10] =	ssyncadd.s32 $0xFFFFEC00  }
0x136: {  	_ =	swait.ge [sflag:s22], $0x8000  }
0x137: {  	[sflag:s22] =	ssyncset.done $0x0  }
0x138: {  	[sflag:s22] =	ssyncadd.s32 $0xFFFF8000  }
0x139: {  	v4 =	vld [tilespmem:$0x0];
	_ =	sdelay $0x4  }
0x13a: {  	v5 =	vshrl.u32 v4, $0x3  }
0x13b: {  	v5 =	vmul.u32 $0x18, v5  }
0x13c: {  	v4 =	vand.u32 $0x7, v4  }
0x13d: {  	v4 =	vor.u32 v4, v5  }
0x13e: {  	v5 =	vperm.xlane v4, v0;
	_ =	sdelay $0x1  }
0x13f: {  	s12 =	sxor.u32 $0x1, s31;
	v5 =	vadd.s32 v1, v5  }
0x140: {  	s0 =	smul.u32 $0x30000, s12  }
0x141: {  	v4 =	vperm.xlane v4, v2  }
0x142: {  	s0 =	sshrl.u32 s0, $0x2  }
0x143: {  	s13 =	sor.u32 $0x1400, s0;
	v4 =	vadd.s32 v1, v4  }
0x144: {  	[tilespmem:s13], [sflag:$0x1] =	stream.indirect_vreg.gather [hbm4b:s4+s2], $0x80, v5, vm0, $0xb8;
	[tilespmem:$0x1D400] =	vst v63  }
0x145: {  	s11 =	sor.u32 $0x1C00, s0  }
0x146: {  	[tilespmem:s11], [sflag:$0x1] =	stream.indirect_vreg.gather [hbm4b:s8+s2], $0x80, v5, vm1, $0xb8;
	[tilespmem:$0x1D400] =	vst v63  }
0x147: {  	s12 =	sor.u32 $0x2000, s0  }
0x148: {  	[tilespmem:s12], [sflag:$0x1] =	stream.indirect_vreg.gather [hbm4b:s4+s2], $0x80, v4, vm0, $0xb8;
	[tilespmem:$0x1D400] =	vst v63  }
0x149: {  	s13 =	sor.u32 $0x2800, s0  }
0x14a: {  	[tilespmem:s13], [sflag:$0x1] =	stream.indirect_vreg.gather [hbm4b:s8+s2], $0x80, v4, vm1, $0xb8;
	[tilespmem:$0x1D400] =	vst v63  }
0x14b: {  	v4 =	vld [tilespmem:$0x10];
	_ =	sdelay $0x4  }
0x14c: {  	v5 =	vshrl.u32 v4, $0x3  }
0x14d: {  	v5 =	vmul.u32 $0x18, v5  }
0x14e: {  	v4 =	vand.u32 $0x7, v4  }
0x14f: {  	v4 =	vor.u32 v4, v5  }
0x150: {  	v5 =	vperm.xlane v4, v0;
	_ =	sdelay $0x1  }
0x151: {  	v5 =	vadd.s32 v1, v5;
	_ =	sdelay $0x1  }
0x152: {  	v4 =	vperm.xlane v4, v2;
	_ =	sdelay $0x1  }
0x153: {  	s11 =	sor.u32 $0x2C00, s0;
	v4 =	vadd.s32 v1, v4  }
0x154: {  	[tilespmem:s11], [sflag:$0x1] =	stream.indirect_vreg.gather [hbm4b:s4+s2], $0x80, v5, vm0, $0xb8;
	[tilespmem:$0x1D400] =	vst v63  }
0x155: {  	s12 =	sor.u32 $0x3400, s0  }
0x156: {  	[tilespmem:s12], [sflag:$0x1] =	stream.indirect_vreg.gather [hbm4b:s8+s2], $0x80, v5, vm1, $0xb8;
	[tilespmem:$0x1D400] =	vst v63  }
0x157: {  	s13 =	sor.u32 $0x3800, s0  }
0x158: {  	[tilespmem:s13], [sflag:$0x1] =	stream.indirect_vreg.gather [hbm4b:s4+s2], $0x80, v4, vm0, $0xb8;
	[tilespmem:$0x1D400] =	vst v63  }
0x159: {  	s11 =	sadd.s32 $0x4000, s0  }
0x15a: {  	[tilespmem:s11], [sflag:$0x1] =	stream.indirect_vreg.gather [hbm4b:s8+s2], $0x80, v4, vm1, $0xb8;
	[tilespmem:$0x1D400] =	vst v63  }
0x15b: {  	v4 =	vld [tilespmem:$0x20];
	_ =	sdelay $0x4  }
0x15c: {  	v5 =	vshrl.u32 v4, $0x3  }
0x15d: {  	v5 =	vmul.u32 $0x18, v5  }
0x15e: {  	v4 =	vand.u32 $0x7, v4  }
0x15f: {  	v4 =	vor.u32 v4, v5  }
0x160: {  	v5 =	vperm.xlane v4, v0;
	_ =	sdelay $0x1  }
0x161: {  	v5 =	vadd.s32 v1, v5;
	_ =	sdelay $0x1  }
0x162: {  	v4 =	vperm.xlane v4, v2;
	_ =	sdelay $0x1  }
0x163: {  	s12 =	sadd.s32 $0x4400, s0;
	v4 =	vadd.s32 v1, v4  }
0x164: {  	[tilespmem:s12], [sflag:$0x1] =	stream.indirect_vreg.gather [hbm4b:s4+s2], $0x80, v5, vm0, $0xb8;
	[tilespmem:$0x1D400] =	vst v63  }
0x165: {  	s13 =	sadd.s32 $0x4C00, s0  }
0x166: {  	[tilespmem:s13], [sflag:$0x1] =	stream.indirect_vreg.gather [hbm4b:s8+s2], $0x80, v5, vm1, $0xb8;
	[tilespmem:$0x1D400] =	vst v63  }
0x167: {  	s11 =	sadd.s32 $0x5000, s0  }
0x168: {  	[tilespmem:s11], [sflag:$0x1] =	stream.indirect_vreg.gather [hbm4b:s4+s2], $0x80, v4, vm0, $0xb8;
	[tilespmem:$0x1D400] =	vst v63  }
0x169: {  	s12 =	sadd.s32 $0x5800, s0  }
0x16a: {  	[tilespmem:s12], [sflag:$0x1] =	stream.indirect_vreg.gather [hbm4b:s8+s2], $0x80, v4, vm1, $0xb8;
	[tilespmem:$0x1D400] =	vst v63  }
0x16b: {  	v4 =	vld [tilespmem:$0x30];
	_ =	sdelay $0x4  }
0x16c: {  	v5 =	vshrl.u32 v4, $0x3  }
0x16d: {  	v5 =	vmul.u32 $0x18, v5  }
0x16e: {  	v4 =	vand.u32 $0x7, v4  }
0x16f: {  	v4 =	vor.u32 v4, v5  }
0x170: {  	v5 =	vperm.xlane v4, v0;
	_ =	sdelay $0x1  }
0x171: {  	v5 =	vadd.s32 v1, v5;
	_ =	sdelay $0x1  }
0x172: {  	v4 =	vperm.xlane v4, v2;
	_ =	sdelay $0x1  }
0x173: {  	s13 =	sadd.s32 $0x5C00, s0;
	v4 =	vadd.s32 v1, v4  }
0x174: {  	[tilespmem:s13], [sflag:$0x1] =	stream.indirect_vreg.gather [hbm4b:s4+s2], $0x80, v5, vm0, $0xb8;
	[tilespmem:$0x1D400] =	vst v63  }
0x175: {  	s11 =	sadd.s32 $0x6400, s0  }
0x176: {  	[tilespmem:s11], [sflag:$0x1] =	stream.indirect_vreg.gather [hbm4b:s8+s2], $0x80, v5, vm1, $0xb8;
	[tilespmem:$0x1D400] =	vst v63  }
0x177: {  	s12 =	sadd.s32 $0x6800, s0  }
0x178: {  	[tilespmem:s12], [sflag:$0x1] =	stream.indirect_vreg.gather [hbm4b:s4+s2], $0x80, v4, vm0, $0xb8;
	[tilespmem:$0x1D400] =	vst v63  }
0x179: {  	s13 =	sadd.s32 $0x7000, s0  }
0x17a: {  	[tilespmem:s13], [sflag:$0x1] =	stream.indirect_vreg.gather [hbm4b:s8+s2], $0x80, v4, vm1, $0xb8;
	[tilespmem:$0x1D400] =	vst v63  }
0x17b: {  	v4 =	vld [tilespmem:$0x40];
	_ =	sdelay $0x4  }
0x17c: {  	v5 =	vshrl.u32 v4, $0x3  }
0x17d: {  	v5 =	vmul.u32 $0x18, v5  }
0x17e: {  	v4 =	vand.u32 $0x7, v4  }
0x17f: {  	v4 =	vor.u32 v4, v5  }
0x180: {  	v5 =	vperm.xlane v4, v0;
	_ =	sdelay $0x1  }
0x181: {  	v5 =	vadd.s32 v1, v5;
	_ =	sdelay $0x1  }
0x182: {  	v4 =	vperm.xlane v4, v2;
	_ =	sdelay $0x1  }
0x183: {  	s11 =	sadd.s32 $0x7400, s0;
	v4 =	vadd.s32 v1, v4  }
0x184: {  	[tilespmem:s11], [sflag:$0x1] =	stream.indirect_vreg.gather [hbm4b:s4+s2], $0x80, v5, vm0, $0xb8;
	[tilespmem:$0x1D400] =	vst v63  }
0x185: {  	s12 =	sadd.s32 $0x7C00, s0  }
0x186: {  	[tilespmem:s12], [sflag:$0x1] =	stream.indirect_vreg.gather [hbm4b:s8+s2], $0x80, v5, vm1, $0xb8;
	[tilespmem:$0x1D400] =	vst v63  }
0x187: {  	s13 =	sadd.s32 $0x8000, s0  }
0x188: {  	[tilespmem:s13], [sflag:$0x1] =	stream.indirect_vreg.gather [hbm4b:s4+s2], $0x80, v4, vm0, $0xb8;
	[tilespmem:$0x1D400] =	vst v63  }
0x189: {  	s11 =	sadd.s32 $0x8800, s0  }
0x18a: {  	[tilespmem:s11], [sflag:$0x1] =	stream.indirect_vreg.gather [hbm4b:s8+s2], $0x80, v4, vm1, $0xb8;
	[tilespmem:$0x1D400] =	vst v63  }
0x18b: {  	v4 =	vld [tilespmem:$0x50];
	_ =	sdelay $0x4  }
0x18c: {  	v5 =	vshrl.u32 v4, $0x3  }
0x18d: {  	v5 =	vmul.u32 $0x18, v5  }
0x18e: {  	v4 =	vand.u32 $0x7, v4  }
0x18f: {  	v4 =	vor.u32 v4, v5  }
0x190: {  	v5 =	vperm.xlane v4, v0;
	_ =	sdelay $0x1  }
0x191: {  	v5 =	vadd.s32 v1, v5;
	_ =	sdelay $0x1  }
0x192: {  	v4 =	vperm.xlane v4, v2;
	_ =	sdelay $0x1  }
0x193: {  	s12 =	sadd.s32 $0x8C00, s0;
	v4 =	vadd.s32 v1, v4  }
0x194: {  	[tilespmem:s12], [sflag:$0x1] =	stream.indirect_vreg.gather [hbm4b:s4+s2], $0x80, v5, vm0, $0xb8;
	[tilespmem:$0x1D400] =	vst v63  }
0x195: {  	s13 =	sadd.s32 $0x9400, s0  }
0x196: {  	[tilespmem:s13], [sflag:$0x1] =	stream.indirect_vreg.gather [hbm4b:s8+s2], $0x80, v5, vm1, $0xb8;
	[tilespmem:$0x1D400] =	vst v63  }
0x197: {  	s11 =	sadd.s32 $0x9800, s0  }
0x198: {  	[tilespmem:s11], [sflag:$0x1] =	stream.indirect_vreg.gather [hbm4b:s4+s2], $0x80, v4, vm0, $0xb8;
	[tilespmem:$0x1D400] =	vst v63  }
0x199: {  	s12 =	sadd.s32 $0xA000, s0  }
0x19a: {  	[tilespmem:s12], [sflag:$0x1] =	stream.indirect_vreg.gather [hbm4b:s8+s2], $0x80, v4, vm1, $0xb8;
	[tilespmem:$0x1D400] =	vst v63  }
0x19b: {  	v4 =	vld [tilespmem:$0x60];
	_ =	sdelay $0x4  }
0x19c: {  	v5 =	vshrl.u32 v4, $0x3  }
0x19d: {  	v5 =	vmul.u32 $0x18, v5  }
0x19e: {  	v4 =	vand.u32 $0x7, v4  }
0x19f: {  	v4 =	vor.u32 v4, v5  }
0x1a0: {  	v5 =	vperm.xlane v4, v0;
	_ =	sdelay $0x1  }
0x1a1: {  	v5 =	vadd.s32 v1, v5;
	_ =	sdelay $0x1  }
0x1a2: {  	v4 =	vperm.xlane v4, v2;
	_ =	sdelay $0x1  }
0x1a3: {  	s13 =	sadd.s32 $0xA400, s0;
	v4 =	vadd.s32 v1, v4  }
0x1a4: {  	[tilespmem:s13], [sflag:$0x1] =	stream.indirect_vreg.gather [hbm4b:s4+s2], $0x80, v5, vm0, $0xb8;
	[tilespmem:$0x1D400] =	vst v63  }
0x1a5: {  	s11 =	sadd.s32 $0xAC00, s0  }
0x1a6: {  	[tilespmem:s11], [sflag:$0x1] =	stream.indirect_vreg.gather [hbm4b:s8+s2], $0x80, v5, vm1, $0xb8;
	[tilespmem:$0x1D400] =	vst v63  }
0x1a7: {  	s12 =	sadd.s32 $0xB000, s0  }
0x1a8: {  	[tilespmem:s12], [sflag:$0x1] =	stream.indirect_vreg.gather [hbm4b:s4+s2], $0x80, v4, vm0, $0xb8;
	[tilespmem:$0x1D400] =	vst v63  }
0x1a9: {  	s13 =	sadd.s32 $0xB800, s0  }
0x1aa: {  	[tilespmem:s13], [sflag:$0x1] =	stream.indirect_vreg.gather [hbm4b:s8+s2], $0x80, v4, vm1, $0xb8;
	[tilespmem:$0x1D400] =	vst v63  }
0x1ab: {  	v4 =	vld [tilespmem:$0x70];
	_ =	sdelay $0x4  }
0x1ac: {  	v5 =	vshrl.u32 v4, $0x3  }
0x1ad: {  	v5 =	vmul.u32 $0x18, v5  }
0x1ae: {  	v4 =	vand.u32 $0x7, v4  }
0x1af: {  	v4 =	vor.u32 v4, v5  }
0x1b0: {  	v5 =	vperm.xlane v4, v0;
	_ =	sdelay $0x1  }
0x1b1: {  	v5 =	vadd.s32 v1, v5;
	_ =	sdelay $0x1  }
0x1b2: {  	v4 =	vperm.xlane v4, v2;
	_ =	sdelay $0x1  }
0x1b3: {  	s11 =	sadd.s32 $0xBC00, s0;
	v4 =	vadd.s32 v1, v4  }
0x1b4: {  	[tilespmem:s11], [sflag:$0x1] =	stream.indirect_vreg.gather [hbm4b:s4+s2], $0x80, v5, vm0, $0xb8;
	[tilespmem:$0x1D400] =	vst v63  }
0x1b5: {  	s12 =	sadd.s32 $0xC400, s0  }
0x1b6: {  	[tilespmem:s12], [sflag:$0x1] =	stream.indirect_vreg.gather [hbm4b:s8+s2], $0x80, v5, vm1, $0xb8;
	[tilespmem:$0x1D400] =	vst v63  }
0x1b7: {  	s13 =	sadd.s32 $0xC800, s0  }
0x1b8: {  	[tilespmem:s13], [sflag:$0x1] =	stream.indirect_vreg.gather [hbm4b:s4+s2], $0x80, v4, vm0, $0xb8;
	[tilespmem:$0x1D400] =	vst v63  }
0x1b9: {  	s0 =	sadd.s32 $0xD000, s0  }
0x1ba: {  	[tilespmem:s0], [sflag:$0x1] =	stream.indirect_vreg.gather [hbm4b:s8+s2], $0x80, v4, vm1, $0xb8;
	[tilespmem:$0x1D400] =	vst v63  }
.LBB2_6:
0x1bb: {  	s0 =	sshll.u32 s29, $0x7  }
0x1bc: {  	s1 =	smul.u32 $0x30000, s31;
	p0 =	seq.s32 s29, $0x0;
	s0 =	sadd.s32 s3, s0  }
0x1bd: {  	s11 =	simm.s32 @!p0 $0x3;
	s0 =	sshrl.u32 s0, $0x3  }
0x1be: {  	s12 =	sshrl.u32 s1, $0x2;
	_ =	swait.ge @!p0 [sflag:s11], $0x4000;
	s0 =	smul.u32 $0x180, s0  }
0x1bf: {  	s1 =	sor.u32 $0x1400, s12;
	[sflag:s11] =	ssyncset.done @!p0 $0x0  }
0x1c0: {  	[sflag:s11] =	ssyncadd.s32 @!p0 $0xFFFFC000;
	s11 =	simm.s32 $0x0;
	s0 =	sadd.s32 s6, s0  }
0x1c1: {  	[hbm4b:s0+s11] =	stream.linear.scatter [tilespmem:s1], [sflag:$0x2], $0x800, $0x38;
	[tilespmem:$0x1D400] =	vst v63  }
0x1c2: {  	s29 =	sadd.s32 $0x2000, s12;
	s31 =	sadd.s32 $0x180, s0  }
0x1c3: {  	[hbm4b:s31+s11] =	stream.linear.scatter [tilespmem:s29], [sflag:$0x2], $0x800, $0x38;
	[tilespmem:$0x1D400] =	vst v63  }
0x1c4: {  	s29 =	sadd.s32 $0x2C00, s12;
	s31 =	sadd.s32 $0x300, s0  }
0x1c5: {  	[hbm4b:s31+s11] =	stream.linear.scatter [tilespmem:s29], [sflag:$0x2], $0x800, $0x38;
	[tilespmem:$0x1D400] =	vst v63  }
0x1c6: {  	s29 =	sadd.s32 $0x3800, s12;
	s31 =	sadd.s32 $0x480, s0  }
0x1c7: {  	[hbm4b:s31+s11] =	stream.linear.scatter [tilespmem:s29], [sflag:$0x2], $0x800, $0x38;
	[tilespmem:$0x1D400] =	vst v63  }
0x1c8: {  	s29 =	sadd.s32 $0x4400, s12;
	s31 =	sadd.s32 $0x600, s0  }
0x1c9: {  	[hbm4b:s31+s11] =	stream.linear.scatter [tilespmem:s29], [sflag:$0x2], $0x800, $0x38;
	[tilespmem:$0x1D400] =	vst v63  }
0x1ca: {  	s29 =	sadd.s32 $0x5000, s12;
	s31 =	sadd.s32 $0x780, s0  }
0x1cb: {  	[hbm4b:s31+s11] =	stream.linear.scatter [tilespmem:s29], [sflag:$0x2], $0x800, $0x38;
	[tilespmem:$0x1D400] =	vst v63  }
0x1cc: {  	s29 =	sadd.s32 $0x5C00, s12;
	s31 =	sadd.s32 $0x900, s0  }
0x1cd: {  	[hbm4b:s31+s11] =	stream.linear.scatter [tilespmem:s29], [sflag:$0x2], $0x800, $0x38;
	[tilespmem:$0x1D400] =	vst v63  }
0x1ce: {  	s29 =	sadd.s32 $0x6800, s12;
	s31 =	sadd.s32 $0xA80, s0  }
0x1cf: {  	[hbm4b:s31+s11] =	stream.linear.scatter [tilespmem:s29], [sflag:$0x2], $0x800, $0x38;
	[tilespmem:$0x1D400] =	vst v63  }
0x1d0: {  	s29 =	sadd.s32 $0x7400, s12;
	s31 =	sadd.s32 $0xC00, s0  }
0x1d1: {  	[hbm4b:s31+s11] =	stream.linear.scatter [tilespmem:s29], [sflag:$0x2], $0x800, $0x38;
	[tilespmem:$0x1D400] =	vst v63  }
0x1d2: {  	s29 =	sadd.s32 $0x8000, s12;
	s31 =	sadd.s32 $0xD80, s0  }
0x1d3: {  	[hbm4b:s31+s11] =	stream.linear.scatter [tilespmem:s29], [sflag:$0x2], $0x800, $0x38;
	[tilespmem:$0x1D400] =	vst v63  }
0x1d4: {  	s29 =	sadd.s32 $0x8C00, s12;
	s31 =	sadd.s32 $0xF00, s0  }
0x1d5: {  	[hbm4b:s31+s11] =	stream.linear.scatter [tilespmem:s29], [sflag:$0x2], $0x800, $0x38;
	[tilespmem:$0x1D400] =	vst v63  }
0x1d6: {  	s29 =	sadd.s32 $0x9800, s12;
	s31 =	sadd.s32 $0x1080, s0  }
0x1d7: {  	[hbm4b:s31+s11] =	stream.linear.scatter [tilespmem:s29], [sflag:$0x2], $0x800, $0x38;
	[tilespmem:$0x1D400] =	vst v63  }
0x1d8: {  	s29 =	sadd.s32 $0xA400, s12;
	s31 =	sadd.s32 $0x1200, s0  }
0x1d9: {  	[hbm4b:s31+s11] =	stream.linear.scatter [tilespmem:s29], [sflag:$0x2], $0x800, $0x38;
	[tilespmem:$0x1D400] =	vst v63  }
0x1da: {  	s29 =	sadd.s32 $0xB000, s12;
	s31 =	sadd.s32 $0x1380, s0  }
0x1db: {  	[hbm4b:s31+s11] =	stream.linear.scatter [tilespmem:s29], [sflag:$0x2], $0x800, $0x38;
	[tilespmem:$0x1D400] =	vst v63  }
0x1dc: {  	s29 =	sadd.s32 $0xBC00, s12;
	s31 =	sadd.s32 $0x1500, s0  }
0x1dd: {  	[hbm4b:s31+s11] =	stream.linear.scatter [tilespmem:s29], [sflag:$0x2], $0x800, $0x38;
	[tilespmem:$0x1D400] =	vst v63  }
0x1de: {  	s29 =	simm.s32 $0x0  }
0x1df: {  	s12 =	sadd.s32 $0xC800, s12;
	s31 =	sadd.s32 $0x1680, s0;
	s29 =	smul.u32 $0x3000, s29  }
0x1e0: {  	[hbm4b:s31+s11] =	stream.linear.scatter [tilespmem:s12], [sflag:$0x2], $0x800, $0x38;
	[tilespmem:$0x1D400] =	vst v63  }
0x1e1: {  	s13 =	sshra.s32 s29, $0x2  }
0x1e2: {  	s29 =	sand.u32 $0x380, s11;
	s12 =	sadd.s32 s13, s1  }
0x1e3: {  	s12 =	sadd.s32 s29, s12  }
0x1e4: {  	v4 =	vld [tilespmem:s12+$0x800];
	_ =	sdelay $0x3  }
0x1e5: {  	s29 =	simm.s32 $0x19410  }
0x1e6: {  	[tilespmem:s29+$0xFFFFFFF0] =	vst v4  }
0x1e7: {  	v4 =	vld [tilespmem:s12+$0x810];
	_ =	sdelay $0x4  }
0x1e8: {  	[tilespmem:s29+$0x0] =	vst v4  }
0x1e9: {  	v5 =	vld.msk [tilespmem:s12+$0x820], $0xfff;
	_ =	sdelay $0x2  }
0x1ea: {  	s31 =	simm.s32 $0x2;
	v4 =	vperm.xlane v4, v3;
	s12 =	simm.s32 $0x0  }
.LBB2_7:
0x1eb: {  	p0 =	sne.s32 s31, $0x7F;
	s12 =	smul.u32 $0x3000, s12  }
0x1ec: {  	v5 =	vperm.xlane v5, v3  }
0x1ed: {  	s11 =	sadd.s32 $0x80, s11;
	s12 =	sshra.s32 s12, $0x2  }
0x1ee: {  	s13 =	sand.u32 $0x380, s11;
	s12 =	sadd.s32 s12, s1;
	v4 =	vsel vm2, v4, v5  }
0x1ef: {  	s12 =	sadd.s32 s13, s12;
	[tilespmem:s29+$0xC] =	vst v4  }
0x1f0: {  	v4 =	vld [tilespmem:s12+$0x800];
	_ =	sdelay $0x3  }
0x1f1: {  	s29 =	sadd.s32 $0x80, s29  }
0x1f2: {  	[tilespmem:s29+$0xFFFFFFF0] =	vst v4  }
0x1f3: {  	v4 =	vld [tilespmem:s12+$0x810];
	_ =	sdelay $0x4  }
.Ltmp2:
0x1f4: {  	[tilespmem:s29+$0x0] =	vst v4;
	v4 =	vperm.xlane v4, v3;
	(pc) =	sbr.rel @p0 .LBB2_7-.Ltmp2, $2  }
0x1f5: {  	v5 =	vld.msk [tilespmem:s12+$0x820], $0xfff;
	_ =	sdelay $0x2  }
0x1f6: {  	s12 =	sshrl.u32 s31, $0x3;
	s31 =	sadd.s32 $0x1, s31  }
0x1f7: {  	s12 =	smul.u32 $0x3000, s12  }
0x1f8: {  	v5 =	vperm.xlane v5, v3  }
0x1f9: {  	s11 =	sadd.s32 $0x80, s11;
	s12 =	sshra.s32 s12, $0x2  }
0x1fa: {  	s11 =	sand.u32 $0x380, s11;
	s1 =	sadd.s32 s12, s1;
	v4 =	vsel vm2, v4, v5  }
0x1fb: {  	s1 =	sadd.s32 s11, s1;
	[tilespmem:s29+$0xC] =	vst v4  }
0x1fc: {  	v4 =	vld [tilespmem:s1+$0x800];
	_ =	sdelay $0x3  }
0x1fd: {  	s31 =	sadd.s32 $0x80, s29  }
0x1fe: {  	[tilespmem:s31+$0xFFFFFFF0] =	vst v4  }
0x1ff: {  	v4 =	vld [tilespmem:s1+$0x810];
	_ =	sdelay $0x4  }
0x200: {  	[tilespmem:s31+$0x0] =	vst v4  }
0x201: {  	v5 =	vld.msk [tilespmem:s1+$0x820], $0xfff;
	_ =	sdelay $0x3  }
0x202: {  	p0 =	sne.s32 s30, $0xC8  }
.Ltmp3:
0x203: {  	v4 =	vperm.xlane v4, v3;
	v5 =	vperm.xlane v5, v3;
	(pc) =	sbr.rel @p0 .LBB2_2-.Ltmp3, $4  }
0x204: {  	_ = 	snop  }
0x205: {  	v4 =	vsel vm2, v4, v5  }
0x206: {  	s0 =	sadd.s32 $0x100, s0;
	s29 =	smov.u32 s30;
	[tilespmem:s31+$0xC] =	vst v4  }
0x207: {  	[hbm4b:s0+s23] =	stream.strided.scatter [tilespmem:s25], [sflag:$0x3], $0x4000, s24, s23, $0x38;
	[tilespmem:$0x1D400] =	vst v63  }
0x208: {  	_ =	swait.ge [sflag:s22], $0x8000  }
0x209: {  	[sflag:s22] =	ssyncset.done $0x0  }
0x20a: {  	s28 =	sadd.s32 $0x1, s28;
	[sflag:s22] =	ssyncadd.s32 $0xFFFF8000  }
0x20b: {  	p0 =	sne.s32 s28, s9;
	_ =	swait.ge [sflag:s22], $0x8000  }
.Ltmp4:
0x20c: {  	[sflag:s22] =	ssyncset.done $0x0;
	(pc) =	sbr.rel @p0 .LBB2_1-.Ltmp4, $4  }
0x20d: {  	[sflag:s22] =	ssyncadd.s32 $0xFFFF8000  }
0x20e: {  	_ =	swait.ge [sflag:s26], $0x4000  }
0x20f: {  	[sflag:s26] =	ssyncset.done $0x0  }
0x210: {  	[sflag:s26] =	ssyncadd.s32 $0xFFFFC000  }
0x211: {  	_ =	sfence.sel $0x180000  }
0x212: {  	[bflag:$0x0] =	sbarrier.arrive $0xFFFF  }
0x213: {  	_ =	strace $0x90000047  }
0x214: {  	s0 =	stileid.u32;
	[bflag:$0x2] =	sbarrier.arrive $0xFFFF  }
0x215: {  	p0 =	sne.s32 s0, $0x0;
	s0 =	rddreg [dreg:$0x1]  }
0x216: {  	s0 =	sadd.s32 @!p0 $0x100000, s0  }
0x217: {  	[sflag:s0] =	ssyncadd.tile.s32 @!p0 $0x1;
	_ =	shalt  }
.Lfunc_end2:
_tile_overlayer_lowered:
.L_overlay_start_2:
0x218: {  	(tag) =	ssettag $0x2  }
0x219: {  	s0 =	rddreg [dreg:$0x0];
	s2 =	stileid.u32  }
0x21a: {  	s1 =	rddreg [dreg:$0x1];
	p0 =	sne.s32 s2, $0x0  }
0x21b: {  	s3 =	rddreg [dreg:$0x2];
	[bflag:$0x3] =	sbarrier.arrive $0xFFFF;
	s2 =	simm.s32 @!p0 $0x1C04  }
0x21c: {  	[timem:s3], [sflag:s2] =	dma.local @!p0 [hbm:s0], s1  }
0x21d: {  	s0 =	simm.s32 @!p0 $0x4  }
0x21e: {  	_ =	swait.ge @!p0 [sflag:s0], s1  }
0x21f: {  	s1 =	ssub.s32 @!p0 $0x0, s1;
	[sflag:s0] =	ssyncset.done @!p0 $0x0  }
0x220: {  	[sflag:s0] =	ssyncadd.s32 @!p0 s1  }
0x221: {  	[bflag:$0x3] =	sbarrier.arrive $0xFFFF  }
0x222: {  	_ =	shalt  }

// kernel: sparse-core-data-format-call.cloned.1.call-start
scs
called_computation_lowered:
.L_overlay_start_0:
0x0: {  	s2 =	sld [smem:$0x3FD9]  }
0x1: {  	s3 =	sld [smem:$0x3FFE];
	_ =	sdelay $0x1  }
0x2: {  	s1 =	srdreg.scid  }
0x3: {  	s0 =	sand.u32 $0x1, s1  }
0x4: {  	s18 =	sshll.u32 s0, $0xA;
	s2 =	sadd.s32 s3, s2  }
0x5: {  	s2 =	sadd.s32 s2, s18  }
0x6: {  	[smem:$0x3FC5] =	sst s2  }
0x7: {  	_ = 	snop  }
0x8: {  	s2 =	sld [smem:$0x3FD0];
	(tm) =	ssettm $0x1  }
0x9: {  	s19 =	sld [smem:$0x3FFB];
	_ =	sdelay $0x3  }
0xa: {  	_ =	strace s19  }
0xb: {  	s3 =	sld [smem:$0x3FFC];
	_ =	sdelay $0x3  }
0xc: {  	_ =	strace s3  }
0xd: {  	s3 =	sld [smem:$0x3FFD];
	_ =	sdelay $0x3  }
0xe: {  	_ =	strace s3  }
0xf: {  	_ =	strace $0x8FFFFFFF  }
0x10: {  	s20 =	sld [smem:$0x3FDB];
	_ =	sdelay $0x1  }
0x11: {  	s4 =	simm.s32 $_scs_section_size  }
0x12: {  	s5 =	simm.s32 $_size__tile_overlayer_lowered;
	s6 =	simm.s32 $_tile_overlayer_lowered  }
0x13: {  	s23 =	simm.s32 $0x1BFF;
	s22 =	sshll.u32 s6, $0x1;
	s3 =	sadd.s32 s4, s20  }
0x14: {  	s7 =	simm.s32 $0x0;
	s21 =	sshll.u32 s5, $0x1;
	s5 =	sadd.s32 s22, s3  }
0x15: {  	[timem:s7], [sflag:s23] =	dma.local [hbm:s5], s21  }
0x16: {  	_ =	swait.ge [sflag:s23], s21  }
0x17: {  	s4 =	ssub.s32 $0x0, s21;
	[sflag:s23] =	ssyncset.done $0x0  }
0x18: {  	[sflag:s23] =	ssyncadd.s32 s4;
	_ =	sdelay $0x1  }
0x19: {  	s24 =	simm.s32 $0x1B8B  }
0x1a: {  	_ =	swait.ge [sflag:s24], $0x1  }
0x1b: {  	[sflag:s24] =	ssyncset.done $0x0  }
0x1c: {  	s26 =	simm.s32 $0x1B8E;
	s25 =	sld [smem:$0x3FFE];
	[sflag:s24] =	ssyncadd.s32 $0xFFFFFFFF  }
0x1d: {  	s27 =	simm.s32 $execute0_lowered;
	[smem:$0x3FD2] =	sst s26  }
0x1e: {  	s5 =	sshll.u32 s27, $0x1;
	_ =	strace $0x80000049;
	[dreg:$0x1] =	wrdreg $0xFFFFFFFF  }
0x1f: {  	s28 =	simm.s32 $_size_execute0_lowered;
	s3 =	sadd.s32 s3, s5;
	[dreg:$0x0] =	wrdreg $0x0  }
0x20: {  	s5 =	sshll.u32 s28, $0x1;
	[dreg:$0x2] =	wrdreg s3  }
0x21: {  	[dreg:$0x3] =	wrdreg s5  }
0x22: {  	[dreg:$0x4] =	wrdreg $0xC0  }
0x23: {  	_ =	task [dreg:s7], $0x5FFFF  }
0x24: {  	[dreg:$0x1] =	wrdreg $0xFFFFFFFF  }
0x25: {  	[dreg:$0x0] =	wrdreg $0x60  }
0x26: {  	[dreg:$0x2] =	wrdreg s25  }
0x27: {  	[dreg:$0x3] =	wrdreg s2  }
0x28: {  	[dreg:$0x4] =	wrdreg $0x9  }
0x29: {  	_ =	task.clear_ibuf [dreg:s7], $0x5FFFF;
	_ =	strace $0x90000049  }
0x2a: {  	s29 =	simm.s32 $0x9;
	_ =	strace $0x8000004B  }
0x2b: {  	_ =	swait.ge [sflag:s29], $0x1  }
0x2c: {  	[sflag:s29] =	ssyncadd.s32 $0xFFFFFFFF  }
0x2d: {  	_ =	strace $0x9000004B  }
0x2e: {  	_ =	sfence  }
0x2f: {  	s30 =	sld [smem:$0x0];
	_ =	sdelay $0x2  }
0x30: {  	s31 =	sshll.u32 s1, $0xD;
	s1 =	sshrl.u32 s1, $0x2  }
0x31: {  	s3 =	sand.u32 $0x4000, s31;
	s1 =	sadd.s32 s1, s30  }
0x32: {  	s0 =	sor.u32 s3, s0;
	s1 =	sshll.u32 s1, $0x11  }
0x33: {  	s0 =	sor.u32 s1, s0  }
0x34: {  	s0 =	sadd.s32 $0x8F2B, s0  }
0x35: {  	[sflag:s0] =	ssyncadd.remote.s32 $0x1  }
0x36: {  	_ =	sfence.sel $0xFFFF  }
0x37: {  	[dreg:$0x0] =	wrdreg $0xFFFFFFFF;
	(pc) =	sbr.abs _section_cstart, $3  }
0x38: {  	[dreg:$0x1] =	wrdreg $0xFFFFFFFF  }
0x39: {  	_ =	task.clear_ibuf [dreg:s7], $0x2FFFF;
	_ =	strace $0x9FFFFFFF  }
0x3a: {  	(tm) =	ssettm $0x7FFFFFFF  }
0x3b: {  	_ =	shalt  }
tec
execute0_lowered:
.L_overlay_start_1:
0x0: {  	(tag) =	ssettag $0x1  }
0x1: {  	s0 =	srdreg.scid;
	s6 =	rddreg [dreg:$0x0]  }
0x2: {  	s3 =	rddreg [dreg:$0x1];
	s1 =	sshll.u32 s0, $0x4  }
0x3: {  	s5 =	simm.s32 $0x1;
	s0 =	stileid.u32;
	s1 =	sand.u32 $0x10, s1  }
0x4: {  	s31 =	simm.s32 $0x2;
	s16 =	simm.s32 $0x0;
	s1 =	sor.u32 s0, s1  }
0x5: {  	s8 =	simm.s32 $0xC8000;
	s17 =	simm.s32 $0x0;
	s2 =	sshll.u32 s1, $0x7  }
0x6: {  	s18 =	simm.s32 $0x0;
	s9 =	simm.s32 $0x0;
	s4 =	ssub.s32 $0x1000, s2  }
0x7: {  	s10 =	simm.s32 $0x0;
	s11 =	simm.s32 $0x0;
	s30 =	sand.u32 $0xF80, s4  }
0x8: {  	s12 =	simm.s32 $0x0;
	s14 =	simm.s32 $0x0;
	p0 =	sne.s32 s30, $0x0  }
.Ltmp0:
0x9: {  	s7 =	sshrl.u32 s4, $0xC;
	s5 =	simm.s32 @!p0 $0x0;
	(pc) =	sbr.rel .LBB1_1-.Ltmp0, $4  }
0xa: {  	s15 =	simm.s32 $0x0;
	s1 =	rddreg [dreg:$0x2];
	s5 =	sadd.s32 s5, s7  }
0xb: {  	_ =	strace $0x8000004A;
	s4 =	simm.s32 $0x1;
	s5 =	smul.u32 $0x258, s5  }
0xc: {  	s6 =	sadd.s32 $0x941400, s6;
	s13 =	smov.u32 s2;
	[sflag:s4] =	ssyncpa.u1 $0x0  }
0xd: {  	[sflag:s31] =	ssyncpa.u1 $0x0;
	p0 =	por $0x0, $0x0;
	s7 =	sor.u32 $0x1, s5  }
.LBB1_4:
0xe: {  	s23 =	sshra.s32 s23, $0x2  }
0xf: {  	s24 =	sshll.u32 s11, $0xC;
	p1 =	sgt.s32 s11, $0xC7;
	s25 =	smov.u32 s11  }
0x10: {  	s26 =	sshra.s32 s11, $0x1F;
	s27 =	smov.u32 s9;
	s28 =	smov.u32 s10  }
0x11: {  	s29 =	sshra.s32 s10, $0x1F;
	s22 =	sadd.s32 s23, s22;
	s30 =	sand.u32 $0xFFFF8000, s24  }
0x12: {  	s24 =	sshll.u32 s10, $0x3;
	s25 =	simm.s32 @!p1 $0xC7;
	p1 =	sgt.s32 s9, $0xAC  }
0x13: {  	s26 =	sand.u32 s26, s11;
	s31 =	sand.u32 s29, s10;
	s29 =	sshll.u32 s11, $0x7  }
0x14: {  	s23 =	sadd.s32 s30, s24;
	s27 =	simm.s32 @!p1 $0xAC;
	s25 =	ssub.s32 s25, s26  }
0x15: {  	[tilespmem:s21+$0x2040 ss:$0x81] =	vst.msk $0xffff, v4;
	p1 =	sgt.s32 s10, $0xF80;
	s30 =	sshra.s32 s9, $0x1F;
	s29 =	sand.u32 $0x380, s29  }
0x16: {  	v5 =	vld [tilespmem:s20+$0xFFFFFFD0];
	[tilespmem:s21+$0x2850 ss:$0x81] =	vst.msk $0xffff, v3;
	s26 =	sadd.s32 $0xFFFFFF39, s25;
	s28 =	simm.s32 @!p1 $0xF80;
	s23 =	sshrl.u32 s23, $0xC  }
0x17: {  	v58 =	vld [tilespmem:s20+$0xFFFFFFE0];
	[tilespmem:s21+$0x3060 ss:$0x81] =	vst.msk $0xffff, v2;
	p1 =	sgt.s32 s26, $0x0;
	s26 =	ssub.s32 s28, s31;
	s28 =	sand.u32 s30, s9  }
0x18: {  	v59 =	vld [tilespmem:s20+$0xFFFFFFF0];
	[tilespmem:s21+$0x0 ss:$0x81] =	vst.msk $0xffff, v1;
	s25 =	ssub.s32 $0xC8, s25;
	s21 =	smulhi.u32 $0x147AE15, s23;
	s27 =	ssub.s32 s27, s28  }
0x19: {  	v60 =	vld [tilespmem:s20+$0x0];
	s25 =	simm.s32 @p1 $0x0;
	s31 =	sadd.s32 $0xFFFFF080, s26;
	s26 =	ssub.s32 $0x1000, s26  }
0x1a: {  	v61 =	vld [tilespmem:s20+$0x10];
	[tilespmem:s22+$0x3870 ss:$0x81] =	vst.msk $0xffff, v0;
	s28 =	sand.u32 $0x7, s10;
	p1 =	sgt.s32 s31, $0x7F;
	s30 =	sadd.s32 $0xFFFFFF54, s27  }
0x1b: {  	v62 =	vld [tilespmem:s20+$0x20];
	[tilespmem:s22+$0x810 ss:$0x81] =	vst.msk $0xffff, v5;
	s31 =	sand.u32 $0x78, s10;
	s21 =	smul.u32 $0xC8, s21;
	s26 =	simm.s32 @p1 $0x0  }
0x1c: {  	v63 =	vld [tilespmem:s20+$0xFFFFFFC0];
	[tilespmem:s22+$0x1020 ss:$0x81] =	vst.msk $0xffff, v58;
	p1 =	sgt.s32 s30, $0x7F;
	s30 =	sand.u32 $0xC00, s24;
	s25 =	smul.u32 s25, s26  }
0x1d: {  	[tilespmem:s22+$0x1830 ss:$0x81] =	vst.msk $0xffff, v59;
	s24 =	ssub.s32 $0x12C, s27;
	s26 =	sor.u32 s29, s31;
	s31 =	smul.u32 $0x19000, s9  }
0x1e: {  	[tilespmem:s22+$0x2040 ss:$0x81] =	vst.msk $0xffff, v60;
	s24 =	simm.s32 @p1 $0x0;
	s21 =	ssub.s32 s23, s21;
	s20 =	sor.u32 s30, s26  }
0x1f: {  	[tilespmem:s22+$0x2850 ss:$0x81] =	vst.msk $0xffff, v61;
	s26 =	smul.u32 s24, s25;
	s20 =	sshrl.u32 s20, $0x3;
	s27 =	sadd.s32 s3, s31  }
0x20: {  	[tilespmem:s22+$0x3060 ss:$0x81] =	vst.msk $0xffff, v62;
	s29 =	sshll.u32 s28, $0x12;
	s21 =	sshll.u32 s21, $0x9;
	s20 =	sadd.s32 s20, s27  }
0x21: {  	[tilespmem:s22+$0x0 ss:$0x81] =	vst.msk $0xffff, v63;
	s31 =	sor.u32 $0x80, s29;
	s30 =	sand.u32 $0x3FFFFFFF, s26;
	s20 =	sadd.s32 s21, s20  }
0x22: {  	[hbm4b:s20+s31] =	stream.strided.scatter [tilespmem:s19], [sflag:$0x2], s30, s8, s31, $0x20;
	[tilespmem:$0x10100] =	vst v63  }
.LBB1_5:
0x23: {  	p1 =	slt.u32 s15, $0x2;
	s20 =	smov.u32 s18  }
0x24: {  	p2 =	sgt.s32 @!p1 s16, $0xAC;
	s19 =	sshra.s32 @!p1 s16, $0x1F;
	p3 =	sgt.s32 @!p1 s18, $0xC7  }
0x25: {  	s21 =	sshra.s32 @!p1 s18, $0x1F;
	p2 =	por !p2, p1;
	s19 =	sand.u32 @!p1 s19, s16  }
0x26: {  	p3 =	por !p3, p1;
	s18 =	sand.u32 @!p1 s21, s18;
	s21 =	sshra.s32 @!p1 s17, $0x1F  }
0x27: {  	s20 =	simm.s32 @p3 $0xC7;
	p3 =	sgt.s32 @!p1 s17, $0xF80;
	s16 =	simm.s32 @p2 $0xAC  }
0x28: {  	s18 =	ssub.s32 @!p1 s20, s18;
	p3 =	por !p3, p1;
	s20 =	smov.u32 s17  }
0x29: {  	s17 =	sand.u32 @!p1 s21, s17;
	s21 =	sadd.s32 @!p1 $0xFFFFFF39, s18;
	s20 =	simm.s32 @p3 $0xF80  }
0x2a: {  	s16 =	ssub.s32 @!p1 s16, s19;
	p3 =	sgt.s32 @!p1 s21, $0x0;
	s17 =	ssub.s32 @!p1 s20, s17  }
0x2b: {  	s18 =	ssub.s32 @!p1 $0xC8, s18;
	p2 =	por !p3, p1;
	s20 =	sadd.s32 @!p1 $0xFFFFF080, s17  }
0x2c: {  	s19 =	sadd.s32 @!p1 $0xFFFFFF54, s16;
	s18 =	simm.s32 @!p2 $0x0;
	p2 =	sgt.s32 @!p1 s20, $0x7F  }
0x2d: {  	s16 =	ssub.s32 @!p1 $0x12C, s16;
	s17 =	ssub.s32 @!p1 $0x1000, s17;
	p2 =	por !p2, p1  }
0x2e: {  	s20 =	smov.u32 s13;
	s17 =	simm.s32 @!p2 $0x0;
	p2 =	sgt.s32 @!p1 s19, $0x7F  }
0x2f: {  	s19 =	sadd.s32 $0x80, s12;
	p2 =	por !p2, p1;
	s17 =	smul.u32 @!p1 s18, s17  }
0x30: {  	s18 =	sadd.s32 $0x1000, s13;
	s16 =	simm.s32 @!p2 $0x0;
	p2 =	sgt.s32 s19, $0x12B  }
0x31: {  	s16 =	smul.u32 @!p1 s16, s17;
	s20 =	smov.u32 @p2 s18  }
0x32: {  	s19 =	simm.s32 @p2 $0x0;
	s17 =	simm.s32 $0x1;
	p2 =	sgt.s32 s20, $0xFFF  }
0x33: {  	s17 =	simm.s32 @!p2 $0x0  }
0x34: {  	p0 =	por !p0, !p0;
	s23 =	sadd.s32 s17, s14  }
0x35: {  	s21 =	simm.s32 @!p1 $0x2;
	s20 =	smov.u32 @p2 s2;
	p2 =	sgt.s32 s23, $0xC7  }
0x36: {  	s18 =	smov.u32 s11;
	s23 =	simm.s32 @p2 $0x0;
	p2 =	sne.s32 s15, s7  }
.Ltmp1:
0x37: {  	s11 =	smov.u32 s14;
	s16 =	sand.u32 @!p1 $0x3FFFFFFF, s16;
	(pc) =	sbr.rel @!p2 .LBB1_6-.Ltmp1, $4  }
0x38: {  	_ =	swait.ge @!p1 [sflag:s21], s16;
	s22 =	ssub.s32 @!p1 $0x0, s16;
	s16 =	smov.u32 s9  }
0x39: {  	s17 =	smov.u32 s10;
	s9 =	smov.u32 s12;
	s10 =	smov.u32 s13  }
0x3a: {  	s12 =	smov.u32 s19;
	s13 =	smov.u32 s20;
	[sflag:s21] =	ssyncset.done @!p1 $0x0  }
0x3b: {  	s15 =	sadd.s32 $0x1, s15;
	[sflag:s21] =	ssyncadd.s32 @!p1 s22;
	s14 =	smov.u32 s23  }
.LBB1_1:
0x3c: {  	p1 =	sge.u32 s15, s5  }
0x3d: {  	s19 =	sshrl.u32 @!p1 s13, $0x3  }
0x3e: {  	s20 =	sshll.u32 @!p1 s12, $0x3;
	s19 =	smul.u32 @!p1 $0xC00, s19  }
0x3f: {  	s21 =	sshll.u32 @!p1 s13, $0x7;
	s20 =	sand.u32 @!p1 $0xFFFFFC00, s20  }
0x40: {  	s19 =	sadd.s32 @!p1 s19, s20;
	s20 =	sand.u32 @!p1 $0x380, s21  }
0x41: {  	s21 =	sand.u32 @!p1 $0x7F, s12;
	s19 =	sor.u32 @!p1 s20, s19  }
0x42: {  	s20 =	sor.u32 @!p1 s21, s19  }
0x43: {  	s21 =	smulhi.u32 @!p1 $0xAAAAAAAB, s20  }
0x44: {  	s19 =	smulhi.u32 @!p1 $0xAAAAAAAB, s19  }
0x45: {  	s21 =	sshrl.u32 @!p1 s21, $0x8  }
0x46: {  	s31 =	sadd.s32 $0xFFFFFFFF, s15;
	s19 =	sshrl.u32 @!p1 s19, $0x8;
	s21 =	smul.u32 @!p1 $0x180, s21  }
0x47: {  	s22 =	sxor.u32 @!p1 $0xFFFFFFFF, s15;
	s23 =	smul.u32 @!p1 $0x30000, s14;
	s19 =	sand.u32 @!p1 $0xFFF, s19  }
0x48: {  	s22 =	sshll.u32 @!p1 s22, $0xE;
	s19 =	smul.u32 @!p1 $0x30, s19;
	s20 =	ssub.s32 @!p1 s20, s21  }
0x49: {  	s21 =	sand.u32 @!p1 $0x4000, s22;
	s22 =	sadd.s32 @!p1 s6, s23;
	s23 =	sand.u32 @!p1 $0x7, s20  }
0x4a: {  	s20 =	sshrl.u32 @!p1 s20, $0x3;
	s19 =	sadd.s32 @!p1 s19, s22;
	s22 =	sshll.u32 @!p1 s23, $0x12  }
0x4b: {  	s19 =	sadd.s32 @!p1 s20, s19;
	s20 =	sor.u32 @!p1 $0x400, s22;
	s22 =	simm.s32 @!p1 $0xC00  }
0x4c: {  	[tilespmem:s21], [sflag:$0x1] =	stream.strided.gather @!p1 [hbm4b:s19+s20], $0x4000, s22, s20, $0x38;
	[tilespmem:$0x10100] =	vst v63  }
0x4d: {  	p1 =	sge.u32 s31, s5  }
.Ltmp2:
0x4e: {  	_ = 	snop;
	(pc) =	sbr.rel @p1 .LBB1_5-.Ltmp2, $1  }
0x4f: {  	_ =	sdelay $0x3  }
0x50: {  	s19 =	simm.s32 $0x1  }
0x51: {  	_ =	swait.ge [sflag:s4], $0x4000;
	s19 =	simm.s32 @!p0 $0x0  }
0x52: {  	[sflag:s4] =	ssyncset.done $0x0;
	s20 =	sshll.u32 s19, $0xE  }
0x53: {  	[sflag:s4] =	ssyncadd.s32 $0xFFFFC000;
	s20 =	sor.u32 $0x40, s20  }
0x54: {  	s19 =	smul.u32 $0x10200, s19;
	v0 =	vld [tilespmem:s20+$0x30]  }
0x55: {  	v1 =	vld [tilespmem:s20+$0xFFFFFFD0]  }
0x56: {  	s19 =	sshrl.u32 s19, $0x2;
	v5 =	vld [tilespmem:s20+$0xFFFFFFE0]  }
0x57: {  	v6 =	vld [tilespmem:s20+$0xFFFFFFF0];
	s22 =	sor.u32 $0x8000, s19  }
0x58: {  	s31 =	sand.u32 $0x1, s15;
	v4 =	vld [tilespmem:s20+$0x0];
	s21 =	sadd.s32 $0x0, s22  }
0x59: {  	v3 =	vld [tilespmem:s20+$0x10];
	s19 =	smul.u32 $0x10200, s31;
	[tilespmem:s21+$0x3870 ss:$0x81] =	vst.msk $0xffff, v0  }
0x5a: {  	v2 =	vld [tilespmem:s20+$0x20];
	[tilespmem:s21+$0x810 ss:$0x81] =	vst.msk $0xffff, v1  }
0x5b: {  	s19 =	sshrl.u32 s19, $0x2;
	v1 =	vld [tilespmem:s20+$0xFFFFFFC0];
	[tilespmem:s21+$0x1020 ss:$0x81] =	vst.msk $0xffff, v5;
	s20 =	sadd.s32 $0x80, s20  }
0x5c: {  	s23 =	simm.s32 $0x4;
	s24 =	simm.s32 $0x8;
	s19 =	sor.u32 $0x8000, s19;
	[tilespmem:s21+$0x1830 ss:$0x81] =	vst.msk $0xffff, v6;
	v0 =	vld [tilespmem:s20+$0x30]  }
.LBB1_3:
0x5d: {  	p1 =	sne.s32 s24, $0x1FC;
	v5 =	vld [tilespmem:s20+$0xFFFFFFD0];
	[tilespmem:s21+$0x2040 ss:$0x81] =	vst.msk $0xffff, v4  }
0x5e: {  	v6 =	vld [tilespmem:s20+$0xFFFFFFE0];
	[tilespmem:s21+$0x2850 ss:$0x81] =	vst.msk $0xffff, v3  }
0x5f: {  	s25 =	sshra.s32 s23, $0x2;
	s23 =	smov.u32 s24;
	v7 =	vld [tilespmem:s20+$0xFFFFFFF0];
	[tilespmem:s21+$0x3060 ss:$0x81] =	vst.msk $0xffff, v2  }
.Ltmp3:
0x60: {  	v4 =	vld [tilespmem:s20+$0x0];
	[tilespmem:s21+$0x0 ss:$0x81] =	vst.msk $0xffff, v1;
	s21 =	sadd.s32 s25, s22;
	(pc) =	sbr.rel @p1 .LBB1_3-.Ltmp3, $4  }
0x61: {  	v3 =	vld [tilespmem:s20+$0x10];
	[tilespmem:s21+$0x3870 ss:$0x81] =	vst.msk $0xffff, v0  }
0x62: {  	[tilespmem:s21+$0x810 ss:$0x81] =	vst.msk $0xffff, v5;
	v2 =	vld [tilespmem:s20+$0x20]  }
0x63: {  	v1 =	vld [tilespmem:s20+$0xFFFFFFC0];
	[tilespmem:s21+$0x1020 ss:$0x81] =	vst.msk $0xffff, v6;
	s20 =	sadd.s32 $0x80, s20  }
0x64: {  	s24 =	sadd.s32 $0x4, s24;
	v0 =	vld [tilespmem:s20+$0x30];
	[tilespmem:s21+$0x1830 ss:$0x81] =	vst.msk $0xffff, v7  }
.Ltmp4:
0x65: {  	_ = 	snop;
	(pc) =	sbr.rel .LBB1_4-.Ltmp4, $1  }
0x66: {  	_ =	sdelay $0x3  }
.LBB1_6:
0x67: {  	_ =	sfence.sel $0x180000  }
0x68: {  	s2 =	simm.s32 $0x1;
	[bflag:$0x0] =	sbarrier.arrive $0xFFFF  }
0x69: {  	s31 =	simm.s32 $0x2;
	[sflag:s2] =	ssyncpa.u1 $0x1  }
0x6a: {  	[sflag:s31] =	ssyncpa.u1 $0x1  }
0x6b: {  	p0 =	sne.s32 s0, $0x0;
	_ =	strace $0x9000004A  }
0x6c: {  	s0 =	sadd.s32 @!p0 $0x100000, s1;
	[bflag:$0x2] =	sbarrier.arrive $0xFFFF  }
0x6d: {  	[sflag:s0] =	ssyncadd.tile.s32 @!p0 $0x1;
	_ =	shalt  }
.Lfunc_end1:
_tile_overlayer_lowered:
.L_overlay_start_2:
0x6e: {  	(tag) =	ssettag $0x2  }
0x6f: {  	s0 =	rddreg [dreg:$0x0];
	s2 =	stileid.u32  }
0x70: {  	s1 =	rddreg [dreg:$0x1];
	p0 =	sne.s32 s2, $0x0  }
0x71: {  	s3 =	rddreg [dreg:$0x2];
	[bflag:$0x3] =	sbarrier.arrive $0xFFFF;
	s2 =	simm.s32 @!p0 $0x1C01  }
0x72: {  	[timem:s3], [sflag:s2] =	dma.local @!p0 [hbm:s0], s1  }
0x73: {  	s0 =	simm.s32 @!p0 $0x1  }
0x74: {  	_ =	swait.ge @!p0 [sflag:s0], s1  }
0x75: {  	s1 =	ssub.s32 @!p0 $0x0, s1;
	[sflag:s0] =	ssyncset.done @!p0 $0x0  }
0x76: {  	[sflag:s0] =	ssyncadd.s32 @!p0 s1  }
0x77: {  	[bflag:$0x3] =	sbarrier.arrive $0xFFFF  }
0x78: {  	_ =	shalt  }

</sc_bundles>
